<compile_context>
chip_gen: v7x
topology: tpu7x:2x2x1
jax: 0.10.2.dev20260603
libtpu: 0.0.44.dev20260713+nightly
codegen_flags: <defaults>
</compile_context>

<pallas_src>
import functools

import jax
import jax.numpy as jnp
from jax import lax
from jax.experimental import pallas as pl
from jax.experimental.pallas import tpu as pltpu
from jax.experimental.pallas import tpu_sc as plsc

N = 10000
E = 320000
D = 128
NC = 2
NS = 16
NW = NC * NS
EPW = E // NW
CHUNK = 128
NCHUNK = -(-EPW // CHUNK)
EPW_PAD = NCHUNK * CHUNK
ACC_ROWS = 10240
RPT = ACC_ROWS // NS


def _sc_aggregate(with_deg: bool):
    mesh = plsc.VectorSubcoreMesh(core_axis_name="c", subcore_axis_name="s")
    out_type = [jax.ShapeDtypeStruct((NC, ACC_ROWS, D), jnp.float32)]
    scratch = [
        pltpu.VMEM((NCHUNK, CHUNK), jnp.int32),
        pltpu.VMEM((NCHUNK, CHUNK), jnp.int32),
        pltpu.VMEM((CHUNK, D), jnp.float32),
        pltpu.VMEM_SHARED((ACC_ROWS, D), jnp.float32),
        pltpu.SemaphoreType.DMA,
    ]
    if with_deg:
        out_type.append(jax.ShapeDtypeStruct((NC, ACC_ROWS), jnp.float32))
        scratch += [
            pltpu.VMEM((CHUNK,), jnp.float32),
            pltpu.VMEM_SHARED((ACC_ROWS,), jnp.float32),
        ]

    def body(p_hbm, srcb_hbm, dstb_hbm, agg_out, *rest):
        if with_deg:
            deg_out, src_v, dst_v, rows_v, acc_sh, sem, ones_v, deg_sh = rest
        else:
            src_v, dst_v, rows_v, acc_sh, sem = rest
        c = lax.axis_index("c")
        s = lax.axis_index("s")
        wid = c * NS + s

        pltpu.sync_copy(srcb_hbm.at[wid], src_v)
        pltpu.sync_copy(dstb_hbm.at[wid], dst_v)

        zero16 = jnp.zeros((16,), jnp.float32)
        one16 = jnp.ones((16,), jnp.float32)

        def fill(i, _):
            for k in range(D // 16):
                rows_v[i, pl.ds(k * 16, 16)] = zero16
            return 0

        lax.fori_loop(0, CHUNK, fill, 0)
        if with_deg:
            def fill1(i, _):
                ones_v[pl.ds(i * 16, 16)] = one16
                return 0
            lax.fori_loop(0, CHUNK // 16, fill1, 0)

        for k in range(RPT // CHUNK):
            pltpu.sync_copy(rows_v, acc_sh.at[pl.ds(s * RPT + k * CHUNK, CHUNK)])
        if with_deg:
            for k in range(RPT // CHUNK):
                pltpu.sync_copy(rows_v.at[0],
                                deg_sh.at[pl.ds(s * RPT + k * CHUNK, CHUNK)])
        plsc.subcore_barrier()

        def step(j, _):
            pltpu.async_copy(p_hbm.at[src_v.at[j]], rows_v, sem).wait()
            pltpu.sync_copy(rows_v, acc_sh.at[dst_v.at[j]], add=True)
            if with_deg:
                pltpu.sync_copy(ones_v, deg_sh.at[dst_v.at[j]], add=True)
            return 0

        lax.fori_loop(0, NCHUNK, step, 0)
        plsc.subcore_barrier()

        base = s * RPT
        pltpu.sync_copy(acc_sh.at[pl.ds(base, RPT)],
                        agg_out.at[c, pl.ds(base, RPT)])
        if with_deg:
            pltpu.sync_copy(deg_sh.at[pl.ds(base, RPT)],
                            deg_out.at[c, pl.ds(base, RPT)])

    return pl.kernel(body, out_type=out_type, mesh=mesh, scratch_types=scratch,
                     name="sc_agg_deg" if with_deg else "sc_agg")


_sc_agg_deg = _sc_aggregate(True)
_sc_agg = _sc_aggregate(False)


_ROWS_BLK = 2048
_GRID = -(-N // _ROWS_BLK)


def _dot_t(a, w):
    return lax.dot_general(a, w, (((1,), (1,)), ((), ())),
                           preferred_element_type=jnp.float32)


def _tc_proj_body(x_ref, wp_ref, bp_ref, wl_ref, wr_ref, bl_ref, p_ref, r_ref):
    h = _dot_t(x_ref[...], wp_ref[...]) + bp_ref[...]
    p_ref[...] = _dot_t(h, wl_ref[...])
    r_ref[...] = _dot_t(h, wr_ref[...]) + bl_ref[...]


def _tc_mid_body(agg_ref, deg_ref, r_ref, wl_ref, wr_ref, bl_ref,
                 p_ref, r1_ref):
    deg = (deg_ref[0, :] + deg_ref[1, :]).reshape(_ROWS_BLK, 1)
    inv = 1.0 / jnp.maximum(deg, 1.0)
    h = jnp.maximum((agg_ref[0] + agg_ref[1]) * inv + r_ref[...], 0.0)
    p_ref[...] = _dot_t(h, wl_ref[...])
    r1_ref[...] = _dot_t(h, wr_ref[...]) + bl_ref[...]


def _tc_out_body(agg_ref, deg_ref, r_ref, o_ref):
    deg = (deg_ref[0, :] + deg_ref[1, :]).reshape(_ROWS_BLK, 1)
    inv = 1.0 / jnp.maximum(deg, 1.0)
    o_ref[...] = jnp.maximum((agg_ref[0] + agg_ref[1]) * inv + r_ref[...], 0.0)


_row_spec = pl.BlockSpec((_ROWS_BLK, D), lambda i: (i, 0))
_w_spec = pl.BlockSpec((D, D), lambda i: (0, 0))
_b_spec = pl.BlockSpec((1, D), lambda i: (0, 0))
_agg_spec = pl.BlockSpec((NC, _ROWS_BLK, D), lambda i: (0, i, 0))
_deg_spec = pl.BlockSpec((NC, _ROWS_BLK), lambda i: (0, i))

_tc_proj = pl.pallas_call(
    _tc_proj_body,
    grid=(_GRID,),
    in_specs=[_row_spec, _w_spec, _b_spec, _w_spec, _w_spec, _b_spec],
    out_specs=[_row_spec, _row_spec],
    out_shape=[jax.ShapeDtypeStruct((N, D), jnp.float32)] * 2,
)

_tc_mid = pl.pallas_call(
    _tc_mid_body,
    grid=(_GRID,),
    in_specs=[_agg_spec, _deg_spec, _row_spec, _w_spec, _w_spec, _b_spec],
    out_specs=[_row_spec, _row_spec],
    out_shape=[jax.ShapeDtypeStruct((N, D), jnp.float32)] * 2,
)

_tc_out = pl.pallas_call(
    _tc_out_body,
    grid=(_GRID,),
    in_specs=[_agg_spec, _deg_spec, _row_spec],
    out_specs=_row_spec,
    out_shape=jax.ShapeDtypeStruct((N, D), jnp.float32),
)


def kernel(x, edge_index, W_proj, b_proj, Wl0, bl0, Wr0, Wl1, bl1, Wr1):
    src = edge_index[0].reshape(NW, EPW)
    dst = edge_index[1].reshape(NW, EPW)
    pad = EPW_PAD - EPW
    srcb = jnp.pad(src, ((0, 0), (0, pad))).reshape(NW, NCHUNK, CHUNK)
    dstb = jnp.pad(dst, ((0, 0), (0, pad)), constant_values=N).reshape(
        NW, NCHUNK, CHUNK)

    bp = b_proj.reshape(1, D)
    bl0r = bl0.reshape(1, D)
    bl1r = bl1.reshape(1, D)

    p0, r0 = _tc_proj(x, W_proj, bp, Wl0, Wr0, bl0r)
    agg0, degp = _sc_agg_deg(p0, srcb, dstb)
    p1, r1 = _tc_mid(agg0, degp, r0, Wl1, Wr1, bl1r)
    (agg1,) = _sc_agg(p1, srcb, dstb)
    out = _tc_out(agg1, degp, r1)
    return out

# --- scband reference (transcript-rebuilt; emitter-appended) ---
"""Pipeline reference for scband-book-book-gnn-80590766342425 (READ-ONLY COPY).

The authoritative reference and input builder live on the scoring server;
editing this copy changes nothing except your own understanding.
"""

import jax, jax.numpy as jnp
import numpy as np

N = 10000
E = 320000
D_FEAT = 128
HID = 128


def setup_inputs(seed: int = 0) -> dict:
    key = jax.random.key(seed)
    ks = jax.random.split(key, 10)
    x = jax.random.normal(ks[0], (N, D_FEAT), dtype=jnp.float32)
    edge_index = jax.random.randint(ks[1], (2, E), 0, N, dtype=jnp.int32)
    s_in = 1.0 / np.sqrt(D_FEAT)
    s_h = 1.0 / np.sqrt(HID)
    W_proj = jax.random.normal(ks[2], (HID, D_FEAT), dtype=jnp.float32) * s_in
    b_proj = jnp.zeros((HID,), dtype=jnp.float32)
    Wl0 = jax.random.normal(ks[3], (HID, HID), dtype=jnp.float32) * s_h
    bl0 = jnp.zeros((HID,), dtype=jnp.float32)
    Wr0 = jax.random.normal(ks[4], (HID, HID), dtype=jnp.float32) * s_h
    Wl1 = jax.random.normal(ks[5], (HID, HID), dtype=jnp.float32) * s_h
    bl1 = jnp.zeros((HID,), dtype=jnp.float32)
    Wr1 = jax.random.normal(ks[6], (HID, HID), dtype=jnp.float32) * s_h
    return {"x": x, "edge_index": edge_index, "W_proj": W_proj, "b_proj": b_proj,
            "Wl0": Wl0, "bl0": bl0, "Wr0": Wr0, "Wl1": Wl1, "bl1": bl1, "Wr1": Wr1}


def _sage_conv(x, edge_index, Wl, bl, Wr):
    # PyG SAGEConv(aggr='mean'): out = lin_l(mean_{j in N(i)} x_j) + lin_r(x_i)
    src = edge_index[0]
    dst = edge_index[1]
    msgs = x[src]                                   # gather (SparseCore)
    agg = jax.ops.segment_sum(msgs, dst, num_segments=N)   # scatter-add
    deg = jax.ops.segment_sum(jnp.ones((edge_index.shape[1],), dtype=x.dtype), dst, num_segments=N)
    mean = agg / jnp.clip(deg, 1.0, None)[:, None]
    return mean @ Wl.T + bl + x @ Wr.T


def reference(x, edge_index, W_proj, b_proj, Wl0, bl0, Wr0, Wl1, bl1, Wr1):
    # book_proj
    h = x @ W_proj.T + b_proj
    # layer 0 (SAGE mean) + ReLU (dropout is identity in eval)
    h = _sage_conv(h, edge_index, Wl0, bl0, Wr0)
    h = jax.nn.relu(h)
    # layer 1
    h = _sage_conv(h, edge_index, Wl1, bl1, Wr1)
    h = jax.nn.relu(h)
    return h

if __name__ == "__main__":
    import jax
    _d = setup_inputs()
    print(jax.jit(kernel)(*tuple(_d.values())))

</pallas_src>

<mosaic_0001>
#map = affine_map<(d0, d1) -> (0, 0)>
#map1 = affine_map<(d0, d1) -> (0, 0, 0)>
module attributes {stable_mosaic.version = 14 : i64} {
  func.func @sc_agg_deg(%arg0: i32, %arg1: i32, %arg2: memref<10000x128xf32, #tpu.memory_space<hbm>>, %arg3: memref<32x79x128xi32, #tpu.memory_space<hbm>>, %arg4: memref<32x79x128xi32, #tpu.memory_space<hbm>>, %arg5: memref<2x10240x128xf32, #tpu.memory_space<hbm>>, %arg6: memref<2x10240xf32, #tpu.memory_space<hbm>>, %arg7: memref<79x128xi32, #tpu.memory_space<vmem>>, %arg8: memref<79x128xi32, #tpu.memory_space<vmem>>, %arg9: memref<128x128xf32, #tpu.memory_space<vmem>>, %arg10: memref<10240x128xf32, #tpu.memory_space<vmem_shared>>, %arg11: memref<!tpu.dma_semaphore, #tpu.memory_space<semaphore_mem>>, %arg12: memref<128xf32, #tpu.memory_space<vmem>>, %arg13: memref<10240xf32, #tpu.memory_space<vmem_shared>>) attributes {dimension_semantics = [#tpu.dimension_semantics<core_parallel>, #tpu.dimension_semantics<subcore_parallel>], iteration_bounds = array<i64: 2, 16>, scalar_prefetch = 0 : i64, scratch_operands = 7 : i64, tpu.core_type = #tpu.core_type<sc_vector_subcore>, window_params = [{transform_indices = #map}, {transform_indices = #map1}, {transform_indices = #map1}, {transform_indices = #map1}, {transform_indices = #map}]} {
    %mul3A = arith.constant 16 : i32
    %mul3A_0 = arith.muli %arg0, %mul3A : i32
    %add3A = arith.addi %mul3A_0, %arg1 : i32
    "tpu.region"() ({
      %run_scoped3A_71 = tpu.sem_alloc : memref<!tpu.dma_semaphore, #tpu.memory_space<semaphore_mem>>
      %dma_start3A = arith.constant 0 : i32
      %dma_start3A_72 = arith.constant 0 : i32
      %dma_start3A_73 = tpu.memref_slice %arg3[%add3A, %dma_start3A, %dma_start3A_72] : memref<32x79x128xi32, #tpu.memory_space<hbm>> -> memref<1x79x128xi32, #tpu.memory_space<hbm>>
      %dma_start3A_74 = tpu.memref_squeeze %dma_start3A_73 : memref<1x79x128xi32, #tpu.memory_space<hbm>> -> memref<79x128xi32, #tpu.memory_space<hbm>>
      %dma_start3A_75 = arith.constant 0 : i32
      %dma_start3A_76 = arith.constant 0 : i32
      %dma_start3A_77 = tpu.memref_slice %arg3[%add3A, %dma_start3A_75, %dma_start3A_76] : memref<32x79x128xi32, #tpu.memory_space<hbm>> -> memref<1x79x128xi32, #tpu.memory_space<hbm>>
      %dma_start3A_78 = tpu.memref_squeeze %dma_start3A_77 : memref<1x79x128xi32, #tpu.memory_space<hbm>> -> memref<79x128xi32, #tpu.memory_space<hbm>>
      tpu.enqueue_dma source(%dma_start3A_78 : memref<79x128xi32, #tpu.memory_space<hbm>>) target(%arg7 : memref<79x128xi32, #tpu.memory_space<vmem>>) target_semaphore(%run_scoped3A_71 : memref<!tpu.dma_semaphore, #tpu.memory_space<semaphore_mem>>)
      %dma_wait3A = arith.constant 0 : i32
      %dma_wait3A_79 = arith.constant 0 : i32
      %dma_wait3A_80 = tpu.memref_slice %arg3[%add3A, %dma_wait3A, %dma_wait3A_79] : memref<32x79x128xi32, #tpu.memory_space<hbm>> -> memref<1x79x128xi32, #tpu.memory_space<hbm>>
      %dma_wait3A_81 = tpu.memref_squeeze %dma_wait3A_80 : memref<1x79x128xi32, #tpu.memory_space<hbm>> -> memref<79x128xi32, #tpu.memory_space<hbm>>
      %dma_wait3A_82 = arith.constant 0 : i32
      %dma_wait3A_83 = arith.constant 0 : i32
      %dma_wait3A_84 = tpu.memref_slice %arg3[%add3A, %dma_wait3A_82, %dma_wait3A_83] : memref<32x79x128xi32, #tpu.memory_space<hbm>> -> memref<1x79x128xi32, #tpu.memory_space<hbm>>
      %dma_wait3A_85 = tpu.memref_squeeze %dma_wait3A_84 : memref<1x79x128xi32, #tpu.memory_space<hbm>> -> memref<79x128xi32, #tpu.memory_space<hbm>>
      tpu.wait_dma2 semaphore(%run_scoped3A_71 : memref<!tpu.dma_semaphore, #tpu.memory_space<semaphore_mem>>) src(%dma_wait3A_85 : memref<79x128xi32, #tpu.memory_space<hbm>>) dst(%arg7 : memref<79x128xi32, #tpu.memory_space<vmem>>)
      tpu.yield
    }) : () -> ()
    "tpu.region"() ({
      %run_scoped3A_71 = tpu.sem_alloc : memref<!tpu.dma_semaphore, #tpu.memory_space<semaphore_mem>>
      %dma_start3A = arith.constant 0 : i32
      %dma_start3A_72 = arith.constant 0 : i32
      %dma_start3A_73 = tpu.memref_slice %arg4[%add3A, %dma_start3A, %dma_start3A_72] : memref<32x79x128xi32, #tpu.memory_space<hbm>> -> memref<1x79x128xi32, #tpu.memory_space<hbm>>
      %dma_start3A_74 = tpu.memref_squeeze %dma_start3A_73 : memref<1x79x128xi32, #tpu.memory_space<hbm>> -> memref<79x128xi32, #tpu.memory_space<hbm>>
      %dma_start3A_75 = arith.constant 0 : i32
      %dma_start3A_76 = arith.constant 0 : i32
      %dma_start3A_77 = tpu.memref_slice %arg4[%add3A, %dma_start3A_75, %dma_start3A_76] : memref<32x79x128xi32, #tpu.memory_space<hbm>> -> memref<1x79x128xi32, #tpu.memory_space<hbm>>
      %dma_start3A_78 = tpu.memref_squeeze %dma_start3A_77 : memref<1x79x128xi32, #tpu.memory_space<hbm>> -> memref<79x128xi32, #tpu.memory_space<hbm>>
      tpu.enqueue_dma source(%dma_start3A_78 : memref<79x128xi32, #tpu.memory_space<hbm>>) target(%arg8 : memref<79x128xi32, #tpu.memory_space<vmem>>) target_semaphore(%run_scoped3A_71 : memref<!tpu.dma_semaphore, #tpu.memory_space<semaphore_mem>>)
      %dma_wait3A = arith.constant 0 : i32
      %dma_wait3A_79 = arith.constant 0 : i32
      %dma_wait3A_80 = tpu.memref_slice %arg4[%add3A, %dma_wait3A, %dma_wait3A_79] : memref<32x79x128xi32, #tpu.memory_space<hbm>> -> memref<1x79x128xi32, #tpu.memory_space<hbm>>
      %dma_wait3A_81 = tpu.memref_squeeze %dma_wait3A_80 : memref<1x79x128xi32, #tpu.memory_space<hbm>> -> memref<79x128xi32, #tpu.memory_space<hbm>>
      %dma_wait3A_82 = arith.constant 0 : i32
      %dma_wait3A_83 = arith.constant 0 : i32
      %dma_wait3A_84 = tpu.memref_slice %arg4[%add3A, %dma_wait3A_82, %dma_wait3A_83] : memref<32x79x128xi32, #tpu.memory_space<hbm>> -> memref<1x79x128xi32, #tpu.memory_space<hbm>>
      %dma_wait3A_85 = tpu.memref_squeeze %dma_wait3A_84 : memref<1x79x128xi32, #tpu.memory_space<hbm>> -> memref<79x128xi32, #tpu.memory_space<hbm>>
      tpu.wait_dma2 semaphore(%run_scoped3A_71 : memref<!tpu.dma_semaphore, #tpu.memory_space<semaphore_mem>>) src(%dma_wait3A_85 : memref<79x128xi32, #tpu.memory_space<hbm>>) dst(%arg8 : memref<79x128xi32, #tpu.memory_space<vmem>>)
      tpu.yield
    }) : () -> ()
    %broadcast_in_dim3A = arith.constant 0.000000e+00 : f32
    %broadcast_in_dim3A_1 = vector.broadcast %broadcast_in_dim3A : f32 to vector<16xf32>
    %broadcast_in_dim3A_2 = arith.constant 1.000000e+00 : f32
    %broadcast_in_dim3A_3 = vector.broadcast %broadcast_in_dim3A_2 : f32 to vector<16xf32>
    %scan3A = arith.constant 0 : i32
    %scan3A_4 = arith.constant 0 : i32
    %scan3A_5 = arith.constant 128 : i32
    %scan3A_6 = arith.addi %scan3A_4, %scan3A_5 : i32
    %scan3A_7 = arith.constant 1 : i32
    %scan3A_8 = scf.for %scan3A_71 = %scan3A_4 to %scan3A_6 step %scan3A_7 iter_args(%scan3A_72 = %scan3A) -> (i32)  : i32 {
      %swap3A = arith.index_cast %scan3A_71 : i32 to index
      %swap3A_73 = arith.constant 0 : index
      %swap3A_74 = tpu.vector_load %arg9[%swap3A, %swap3A_73] {strides = array<i32>} : memref<128x128xf32, #tpu.memory_space<vmem>>, vector<1x16xf32>,
      %swap3A_75 = vector.shape_cast %swap3A_74 : vector<1x16xf32> to vector<16xf32>
      %swap3A_76 = vector.shape_cast %broadcast_in_dim3A_1 : vector<16xf32> to vector<1x16xf32>
      tpu.vector_store %arg9[%swap3A, %swap3A_73], %swap3A_76 {strides = array<i32>} : memref<128x128xf32, #tpu.memory_space<vmem>>, vector<1x16xf32>,
      %swap3A_77 = arith.index_cast %scan3A_71 : i32 to index
      %swap3A_78 = arith.constant 16 : index
      %swap3A_79 = tpu.vector_load %arg9[%swap3A_77, %swap3A_78] {strides = array<i32>} : memref<128x128xf32, #tpu.memory_space<vmem>>, vector<1x16xf32>,
      %swap3A_80 = vector.shape_cast %swap3A_79 : vector<1x16xf32> to vector<16xf32>
      %swap3A_81 = vector.shape_cast %broadcast_in_dim3A_1 : vector<16xf32> to vector<1x16xf32>
      tpu.vector_store %arg9[%swap3A_77, %swap3A_78], %swap3A_81 {strides = array<i32>} : memref<128x128xf32, #tpu.memory_space<vmem>>, vector<1x16xf32>,
      %swap3A_82 = arith.index_cast %scan3A_71 : i32 to index
      %swap3A_83 = arith.constant 32 : index
      %swap3A_84 = tpu.vector_load %arg9[%swap3A_82, %swap3A_83] {strides = array<i32>} : memref<128x128xf32, #tpu.memory_space<vmem>>, vector<1x16xf32>,
      %swap3A_85 = vector.shape_cast %swap3A_84 : vector<1x16xf32> to vector<16xf32>
      %swap3A_86 = vector.shape_cast %broadcast_in_dim3A_1 : vector<16xf32> to vector<1x16xf32>
      tpu.vector_store %arg9[%swap3A_82, %swap3A_83], %swap3A_86 {strides = array<i32>} : memref<128x128xf32, #tpu.memory_space<vmem>>, vector<1x16xf32>,
      %swap3A_87 = arith.index_cast %scan3A_71 : i32 to index
      %swap3A_88 = arith.constant 48 : index
      %swap3A_89 = tpu.vector_load %arg9[%swap3A_87, %swap3A_88] {strides = array<i32>} : memref<128x128xf32, #tpu.memory_space<vmem>>, vector<1x16xf32>,
      %swap3A_90 = vector.shape_cast %swap3A_89 : vector<1x16xf32> to vector<16xf32>
      %swap3A_91 = vector.shape_cast %broadcast_in_dim3A_1 : vector<16xf32> to vector<1x16xf32>
      tpu.vector_store %arg9[%swap3A_87, %swap3A_88], %swap3A_91 {strides = array<i32>} : memref<128x128xf32, #tpu.memory_space<vmem>>, vector<1x16xf32>,
      %swap3A_92 = arith.index_cast %scan3A_71 : i32 to index
      %swap3A_93 = arith.constant 64 : index
      %swap3A_94 = tpu.vector_load %arg9[%swap3A_92, %swap3A_93] {strides = array<i32>} : memref<128x128xf32, #tpu.memory_space<vmem>>, vector<1x16xf32>,
      %swap3A_95 = vector.shape_cast %swap3A_94 : vector<1x16xf32> to vector<16xf32>
      %swap3A_96 = vector.shape_cast %broadcast_in_dim3A_1 : vector<16xf32> to vector<1x16xf32>
      tpu.vector_store %arg9[%swap3A_92, %swap3A_93], %swap3A_96 {strides = array<i32>} : memref<128x128xf32, #tpu.memory_space<vmem>>, vector<1x16xf32>,
      %swap3A_97 = arith.index_cast %scan3A_71 : i32 to index
      %swap3A_98 = arith.constant 80 : index
      %swap3A_99 = tpu.vector_load %arg9[%swap3A_97, %swap3A_98] {strides = array<i32>} : memref<128x128xf32, #tpu.memory_space<vmem>>, vector<1x16xf32>,
      %swap3A_100 = vector.shape_cast %swap3A_99 : vector<1x16xf32> to vector<16xf32>
      %swap3A_101 = vector.shape_cast %broadcast_in_dim3A_1 : vector<16xf32> to vector<1x16xf32>
      tpu.vector_store %arg9[%swap3A_97, %swap3A_98], %swap3A_101 {strides = array<i32>} : memref<128x128xf32, #tpu.memory_space<vmem>>, vector<1x16xf32>,
      %swap3A_102 = arith.index_cast %scan3A_71 : i32 to index
      %swap3A_103 = arith.constant 96 : index
      %swap3A_104 = tpu.vector_load %arg9[%swap3A_102, %swap3A_103] {strides = array<i32>} : memref<128x128xf32, #tpu.memory_space<vmem>>, vector<1x16xf32>,
      %swap3A_105 = vector.shape_cast %swap3A_104 : vector<1x16xf32> to vector<16xf32>
      %swap3A_106 = vector.shape_cast %broadcast_in_dim3A_1 : vector<16xf32> to vector<1x16xf32>
      tpu.vector_store %arg9[%swap3A_102, %swap3A_103], %swap3A_106 {strides = array<i32>} : memref<128x128xf32, #tpu.memory_space<vmem>>, vector<1x16xf32>,
      %swap3A_107 = arith.index_cast %scan3A_71 : i32 to index
      %swap3A_108 = arith.constant 112 : index
      %swap3A_109 = tpu.vector_load %arg9[%swap3A_107, %swap3A_108] {strides = array<i32>} : memref<128x128xf32, #tpu.memory_space<vmem>>, vector<1x16xf32>,
      %swap3A_110 = vector.shape_cast %swap3A_109 : vector<1x16xf32> to vector<16xf32>
      %swap3A_111 = vector.shape_cast %broadcast_in_dim3A_1 : vector<16xf32> to vector<1x16xf32>
      tpu.vector_store %arg9[%swap3A_107, %swap3A_108], %swap3A_111 {strides = array<i32>} : memref<128x128xf32, #tpu.memory_space<vmem>>, vector<1x16xf32>,
      %scan3A_112 = arith.constant 0 : i32
      scf.yield %scan3A_112 : i32
    }
    %scan3A_9 = arith.constant 128 : i32
    %scan3A_10 = arith.constant 0 : i32
    %scan3A_11 = arith.constant 0 : i32
    %scan3A_12 = arith.constant 8 : i32
    %scan3A_13 = arith.addi %scan3A_11, %scan3A_12 : i32
    %scan3A_14 = arith.constant 1 : i32
    %scan3A_15 = scf.for %scan3A_71 = %scan3A_11 to %scan3A_13 step %scan3A_14 iter_args(%scan3A_72 = %scan3A_10) -> (i32)  : i32 {
      %mul3A_73 = arith.constant 16 : i32
      %mul3A_74 = arith.muli %scan3A_71, %mul3A_73 : i32
      %swap3A = arith.index_cast %mul3A_74 : i32 to index
      %swap3A_75 = tpu.vector_load %arg12[%swap3A] {strides = array<i32>} : memref<128xf32, #tpu.memory_space<vmem>>, vector<16xf32>,
      %swap3A_76 = vector.shape_cast %swap3A_75 : vector<16xf32> to vector<16xf32>
      %swap3A_77 = vector.shape_cast %broadcast_in_dim3A_3 : vector<16xf32> to vector<16xf32>
      tpu.vector_store %arg12[%swap3A], %swap3A_77 {strides = array<i32>} : memref<128xf32, #tpu.memory_space<vmem>>, vector<16xf32>,
      %scan3A_78 = arith.constant 0 : i32
      scf.yield %scan3A_78 : i32
    }
    %scan3A_16 = arith.constant 8 : i32
    %mul3A_17 = arith.constant 640 : i32
    %mul3A_18 = arith.muli %arg1, %mul3A_17 : i32
    %add3A_19 = arith.constant 0 : i32
    %add3A_20 = arith.addi %mul3A_18, %add3A_19 : i32
    "tpu.region"() ({
      %run_scoped3A_71 = tpu.sem_alloc : memref<!tpu.dma_semaphore, #tpu.memory_space<semaphore_mem>>
      %dma_start3A = arith.constant 0 : i32
      %dma_start3A_72 = tpu.memref_slice %arg10[%add3A_20, %dma_start3A] : memref<10240x128xf32, #tpu.memory_space<vmem_shared>> -> memref<128x128xf32, #tpu.memory_space<vmem_shared>>
      %dma_start3A_73 = arith.constant 0 : i32
      %dma_start3A_74 = tpu.memref_slice %arg10[%add3A_20, %dma_start3A_73] : memref<10240x128xf32, #tpu.memory_space<vmem_shared>> -> memref<128x128xf32, #tpu.memory_space<vmem_shared>>
      tpu.enqueue_dma source(%arg9 : memref<128x128xf32, #tpu.memory_space<vmem>>) target(%dma_start3A_74 : memref<128x128xf32, #tpu.memory_space<vmem_shared>>) target_semaphore(%run_scoped3A_71 : memref<!tpu.dma_semaphore, #tpu.memory_space<semaphore_mem>>)
      %dma_wait3A = arith.constant 0 : i32
      %dma_wait3A_75 = tpu.memref_slice %arg10[%add3A_20, %dma_wait3A] : memref<10240x128xf32, #tpu.memory_space<vmem_shared>> -> memref<128x128xf32, #tpu.memory_space<vmem_shared>>
      %dma_wait3A_76 = arith.constant 0 : i32
      %dma_wait3A_77 = tpu.memref_slice %arg10[%add3A_20, %dma_wait3A_76] : memref<10240x128xf32, #tpu.memory_space<vmem_shared>> -> memref<128x128xf32, #tpu.memory_space<vmem_shared>>
      tpu.wait_dma2 semaphore(%run_scoped3A_71 : memref<!tpu.dma_semaphore, #tpu.memory_space<semaphore_mem>>) src(%arg9 : memref<128x128xf32, #tpu.memory_space<vmem>>) dst(%dma_wait3A_77 : memref<128x128xf32, #tpu.memory_space<vmem_shared>>)
      tpu.yield
    }) : () -> ()
    %mul3A_21 = arith.constant 640 : i32
    %mul3A_22 = arith.muli %arg1, %mul3A_21 : i32
    %add3A_23 = arith.constant 128 : i32
    %add3A_24 = arith.addi %mul3A_22, %add3A_23 : i32
    "tpu.region"() ({
      %run_scoped3A_71 = tpu.sem_alloc : memref<!tpu.dma_semaphore, #tpu.memory_space<semaphore_mem>>
      %dma_start3A = arith.constant 0 : i32
      %dma_start3A_72 = tpu.memref_slice %arg10[%add3A_24, %dma_start3A] : memref<10240x128xf32, #tpu.memory_space<vmem_shared>> -> memref<128x128xf32, #tpu.memory_space<vmem_shared>>
      %dma_start3A_73 = arith.constant 0 : i32
      %dma_start3A_74 = tpu.memref_slice %arg10[%add3A_24, %dma_start3A_73] : memref<10240x128xf32, #tpu.memory_space<vmem_shared>> -> memref<128x128xf32, #tpu.memory_space<vmem_shared>>
      tpu.enqueue_dma source(%arg9 : memref<128x128xf32, #tpu.memory_space<vmem>>) target(%dma_start3A_74 : memref<128x128xf32, #tpu.memory_space<vmem_shared>>) target_semaphore(%run_scoped3A_71 : memref<!tpu.dma_semaphore, #tpu.memory_space<semaphore_mem>>)
      %dma_wait3A = arith.constant 0 : i32
      %dma_wait3A_75 = tpu.memref_slice %arg10[%add3A_24, %dma_wait3A] : memref<10240x128xf32, #tpu.memory_space<vmem_shared>> -> memref<128x128xf32, #tpu.memory_space<vmem_shared>>
      %dma_wait3A_76 = arith.constant 0 : i32
      %dma_wait3A_77 = tpu.memref_slice %arg10[%add3A_24, %dma_wait3A_76] : memref<10240x128xf32, #tpu.memory_space<vmem_shared>> -> memref<128x128xf32, #tpu.memory_space<vmem_shared>>
      tpu.wait_dma2 semaphore(%run_scoped3A_71 : memref<!tpu.dma_semaphore, #tpu.memory_space<semaphore_mem>>) src(%arg9 : memref<128x128xf32, #tpu.memory_space<vmem>>) dst(%dma_wait3A_77 : memref<128x128xf32, #tpu.memory_space<vmem_shared>>)
      tpu.yield
    }) : () -> ()
    %mul3A_25 = arith.constant 640 : i32
    %mul3A_26 = arith.muli %arg1, %mul3A_25 : i32
    %add3A_27 = arith.constant 256 : i32
    %add3A_28 = arith.addi %mul3A_26, %add3A_27 : i32
    "tpu.region"() ({
      %run_scoped3A_71 = tpu.sem_alloc : memref<!tpu.dma_semaphore, #tpu.memory_space<semaphore_mem>>
      %dma_start3A = arith.constant 0 : i32
      %dma_start3A_72 = tpu.memref_slice %arg10[%add3A_28, %dma_start3A] : memref<10240x128xf32, #tpu.memory_space<vmem_shared>> -> memref<128x128xf32, #tpu.memory_space<vmem_shared>>
      %dma_start3A_73 = arith.constant 0 : i32
      %dma_start3A_74 = tpu.memref_slice %arg10[%add3A_28, %dma_start3A_73] : memref<10240x128xf32, #tpu.memory_space<vmem_shared>> -> memref<128x128xf32, #tpu.memory_space<vmem_shared>>
      tpu.enqueue_dma source(%arg9 : memref<128x128xf32, #tpu.memory_space<vmem>>) target(%dma_start3A_74 : memref<128x128xf32, #tpu.memory_space<vmem_shared>>) target_semaphore(%run_scoped3A_71 : memref<!tpu.dma_semaphore, #tpu.memory_space<semaphore_mem>>)
      %dma_wait3A = arith.constant 0 : i32
      %dma_wait3A_75 = tpu.memref_slice %arg10[%add3A_28, %dma_wait3A] : memref<10240x128xf32, #tpu.memory_space<vmem_shared>> -> memref<128x128xf32, #tpu.memory_space<vmem_shared>>
      %dma_wait3A_76 = arith.constant 0 : i32
      %dma_wait3A_77 = tpu.memref_slice %arg10[%add3A_28, %dma_wait3A_76] : memref<10240x128xf32, #tpu.memory_space<vmem_shared>> -> memref<128x128xf32, #tpu.memory_space<vmem_shared>>
      tpu.wait_dma2 semaphore(%run_scoped3A_71 : memref<!tpu.dma_semaphore, #tpu.memory_space<semaphore_mem>>) src(%arg9 : memref<128x128xf32, #tpu.memory_space<vmem>>) dst(%dma_wait3A_77 : memref<128x128xf32, #tpu.memory_space<vmem_shared>>)
      tpu.yield
    }) : () -> ()
    %mul3A_29 = arith.constant 640 : i32
    %mul3A_30 = arith.muli %arg1, %mul3A_29 : i32
    %add3A_31 = arith.constant 384 : i32
    %add3A_32 = arith.addi %mul3A_30, %add3A_31 : i32
    "tpu.region"() ({
      %run_scoped3A_71 = tpu.sem_alloc : memref<!tpu.dma_semaphore, #tpu.memory_space<semaphore_mem>>
      %dma_start3A = arith.constant 0 : i32
      %dma_start3A_72 = tpu.memref_slice %arg10[%add3A_32, %dma_start3A] : memref<10240x128xf32, #tpu.memory_space<vmem_shared>> -> memref<128x128xf32, #tpu.memory_space<vmem_shared>>
      %dma_start3A_73 = arith.constant 0 : i32
      %dma_start3A_74 = tpu.memref_slice %arg10[%add3A_32, %dma_start3A_73] : memref<10240x128xf32, #tpu.memory_space<vmem_shared>> -> memref<128x128xf32, #tpu.memory_space<vmem_shared>>
      tpu.enqueue_dma source(%arg9 : memref<128x128xf32, #tpu.memory_space<vmem>>) target(%dma_start3A_74 : memref<128x128xf32, #tpu.memory_space<vmem_shared>>) target_semaphore(%run_scoped3A_71 : memref<!tpu.dma_semaphore, #tpu.memory_space<semaphore_mem>>)
      %dma_wait3A = arith.constant 0 : i32
      %dma_wait3A_75 = tpu.memref_slice %arg10[%add3A_32, %dma_wait3A] : memref<10240x128xf32, #tpu.memory_space<vmem_shared>> -> memref<128x128xf32, #tpu.memory_space<vmem_shared>>
      %dma_wait3A_76 = arith.constant 0 : i32
      %dma_wait3A_77 = tpu.memref_slice %arg10[%add3A_32, %dma_wait3A_76] : memref<10240x128xf32, #tpu.memory_space<vmem_shared>> -> memref<128x128xf32, #tpu.memory_space<vmem_shared>>
      tpu.wait_dma2 semaphore(%run_scoped3A_71 : memref<!tpu.dma_semaphore, #tpu.memory_space<semaphore_mem>>) src(%arg9 : memref<128x128xf32, #tpu.memory_space<vmem>>) dst(%dma_wait3A_77 : memref<128x128xf32, #tpu.memory_space<vmem_shared>>)
      tpu.yield
    }) : () -> ()
    %mul3A_33 = arith.constant 640 : i32
    %mul3A_34 = arith.muli %arg1, %mul3A_33 : i32
    %add3A_35 = arith.constant 512 : i32
    %add3A_36 = arith.addi %mul3A_34, %add3A_35 : i32
    "tpu.region"() ({
      %run_scoped3A_71 = tpu.sem_alloc : memref<!tpu.dma_semaphore, #tpu.memory_space<semaphore_mem>>
      %dma_start3A = arith.constant 0 : i32
      %dma_start3A_72 = tpu.memref_slice %arg10[%add3A_36, %dma_start3A] : memref<10240x128xf32, #tpu.memory_space<vmem_shared>> -> memref<128x128xf32, #tpu.memory_space<vmem_shared>>
      %dma_start3A_73 = arith.constant 0 : i32
      %dma_start3A_74 = tpu.memref_slice %arg10[%add3A_36, %dma_start3A_73] : memref<10240x128xf32, #tpu.memory_space<vmem_shared>> -> memref<128x128xf32, #tpu.memory_space<vmem_shared>>
      tpu.enqueue_dma source(%arg9 : memref<128x128xf32, #tpu.memory_space<vmem>>) target(%dma_start3A_74 : memref<128x128xf32, #tpu.memory_space<vmem_shared>>) target_semaphore(%run_scoped3A_71 : memref<!tpu.dma_semaphore, #tpu.memory_space<semaphore_mem>>)
      %dma_wait3A = arith.constant 0 : i32
      %dma_wait3A_75 = tpu.memref_slice %arg10[%add3A_36, %dma_wait3A] : memref<10240x128xf32, #tpu.memory_space<vmem_shared>> -> memref<128x128xf32, #tpu.memory_space<vmem_shared>>
      %dma_wait3A_76 = arith.constant 0 : i32
      %dma_wait3A_77 = tpu.memref_slice %arg10[%add3A_36, %dma_wait3A_76] : memref<10240x128xf32, #tpu.memory_space<vmem_shared>> -> memref<128x128xf32, #tpu.memory_space<vmem_shared>>
      tpu.wait_dma2 semaphore(%run_scoped3A_71 : memref<!tpu.dma_semaphore, #tpu.memory_space<semaphore_mem>>) src(%arg9 : memref<128x128xf32, #tpu.memory_space<vmem>>) dst(%dma_wait3A_77 : memref<128x128xf32, #tpu.memory_space<vmem_shared>>)
      tpu.yield
    }) : () -> ()
    %mul3A_37 = arith.constant 640 : i32
    %mul3A_38 = arith.muli %arg1, %mul3A_37 : i32
    %add3A_39 = arith.constant 0 : i32
    %add3A_40 = arith.addi %mul3A_38, %add3A_39 : i32
    %run_scoped3A = arith.constant 0 : i32
    "tpu.region"() ({
      %run_scoped3A_71 = tpu.sem_alloc : memref<!tpu.dma_semaphore, #tpu.memory_space<semaphore_mem>>
      %dma_start3A = arith.constant 0 : i32
      %dma_start3A_72 = tpu.memref_slice %arg9[%run_scoped3A, %dma_start3A] : memref<128x128xf32, #tpu.memory_space<vmem>> -> memref<1x128xf32, #tpu.memory_space<vmem>>
      %dma_start3A_73 = tpu.memref_squeeze %dma_start3A_72 : memref<1x128xf32, #tpu.memory_space<vmem>> -> memref<128xf32, #tpu.memory_space<vmem>>
      %dma_start3A_74 = tpu.memref_slice %arg13[%add3A_40] : memref<10240xf32, #tpu.memory_space<vmem_shared>> -> memref<128xf32, #tpu.memory_space<vmem_shared>>
      %dma_start3A_75 = tpu.memref_slice %arg13[%add3A_40] : memref<10240xf32, #tpu.memory_space<vmem_shared>> -> memref<128xf32, #tpu.memory_space<vmem_shared>>
      %dma_start3A_76 = arith.constant 0 : i32
      %dma_start3A_77 = tpu.memref_slice %arg9[%run_scoped3A, %dma_start3A_76] : memref<128x128xf32, #tpu.memory_space<vmem>> -> memref<1x128xf32, #tpu.memory_space<vmem>>
      %dma_start3A_78 = tpu.memref_squeeze %dma_start3A_77 : memref<1x128xf32, #tpu.memory_space<vmem>> -> memref<128xf32, #tpu.memory_space<vmem>>
      tpu.enqueue_dma source(%dma_start3A_78 : memref<128xf32, #tpu.memory_space<vmem>>) target(%dma_start3A_75 : memref<128xf32, #tpu.memory_space<vmem_shared>>) target_semaphore(%run_scoped3A_71 : memref<!tpu.dma_semaphore, #tpu.memory_space<semaphore_mem>>)
      %dma_wait3A = arith.constant 0 : i32
      %dma_wait3A_79 = tpu.memref_slice %arg9[%run_scoped3A, %dma_wait3A] : memref<128x128xf32, #tpu.memory_space<vmem>> -> memref<1x128xf32, #tpu.memory_space<vmem>>
      %dma_wait3A_80 = tpu.memref_squeeze %dma_wait3A_79 : memref<1x128xf32, #tpu.memory_space<vmem>> -> memref<128xf32, #tpu.memory_space<vmem>>
      %dma_wait3A_81 = tpu.memref_slice %arg13[%add3A_40] : memref<10240xf32, #tpu.memory_space<vmem_shared>> -> memref<128xf32, #tpu.memory_space<vmem_shared>>
      %dma_wait3A_82 = tpu.memref_slice %arg13[%add3A_40] : memref<10240xf32, #tpu.memory_space<vmem_shared>> -> memref<128xf32, #tpu.memory_space<vmem_shared>>
      %dma_wait3A_83 = arith.constant 0 : i32
      %dma_wait3A_84 = tpu.memref_slice %arg9[%run_scoped3A, %dma_wait3A_83] : memref<128x128xf32, #tpu.memory_space<vmem>> -> memref<1x128xf32, #tpu.memory_space<vmem>>
      %dma_wait3A_85 = tpu.memref_squeeze %dma_wait3A_84 : memref<1x128xf32, #tpu.memory_space<vmem>> -> memref<128xf32, #tpu.memory_space<vmem>>
      tpu.wait_dma2 semaphore(%run_scoped3A_71 : memref<!tpu.dma_semaphore, #tpu.memory_space<semaphore_mem>>) src(%dma_wait3A_85 : memref<128xf32, #tpu.memory_space<vmem>>) dst(%dma_wait3A_82 : memref<128xf32, #tpu.memory_space<vmem_shared>>)
      tpu.yield
    }) : () -> ()
    %mul3A_41 = arith.constant 640 : i32
    %mul3A_42 = arith.muli %arg1, %mul3A_41 : i32
    %add3A_43 = arith.constant 128 : i32
    %add3A_44 = arith.addi %mul3A_42, %add3A_43 : i32
    %run_scoped3A_45 = arith.constant 0 : i32
    "tpu.region"() ({
      %run_scoped3A_71 = tpu.sem_alloc : memref<!tpu.dma_semaphore, #tpu.memory_space<semaphore_mem>>
      %dma_start3A = arith.constant 0 : i32
      %dma_start3A_72 = tpu.memref_slice %arg9[%run_scoped3A_45, %dma_start3A] : memref<128x128xf32, #tpu.memory_space<vmem>> -> memref<1x128xf32, #tpu.memory_space<vmem>>
      %dma_start3A_73 = tpu.memref_squeeze %dma_start3A_72 : memref<1x128xf32, #tpu.memory_space<vmem>> -> memref<128xf32, #tpu.memory_space<vmem>>
      %dma_start3A_74 = tpu.memref_slice %arg13[%add3A_44] : memref<10240xf32, #tpu.memory_space<vmem_shared>> -> memref<128xf32, #tpu.memory_space<vmem_shared>>
      %dma_start3A_75 = tpu.memref_slice %arg13[%add3A_44] : memref<10240xf32, #tpu.memory_space<vmem_shared>> -> memref<128xf32, #tpu.memory_space<vmem_shared>>
      %dma_start3A_76 = arith.constant 0 : i32
      %dma_start3A_77 = tpu.memref_slice %arg9[%run_scoped3A_45, %dma_start3A_76] : memref<128x128xf32, #tpu.memory_space<vmem>> -> memref<1x128xf32, #tpu.memory_space<vmem>>
      %dma_start3A_78 = tpu.memref_squeeze %dma_start3A_77 : memref<1x128xf32, #tpu.memory_space<vmem>> -> memref<128xf32, #tpu.memory_space<vmem>>
      tpu.enqueue_dma source(%dma_start3A_78 : memref<128xf32, #tpu.memory_space<vmem>>) target(%dma_start3A_75 : memref<128xf32, #tpu.memory_space<vmem_shared>>) target_semaphore(%run_scoped3A_71 : memref<!tpu.dma_semaphore, #tpu.memory_space<semaphore_mem>>)
      %dma_wait3A = arith.constant 0 : i32
      %dma_wait3A_79 = tpu.memref_slice %arg9[%run_scoped3A_45, %dma_wait3A] : memref<128x128xf32, #tpu.memory_space<vmem>> -> memref<1x128xf32, #tpu.memory_space<vmem>>
      %dma_wait3A_80 = tpu.memref_squeeze %dma_wait3A_79 : memref<1x128xf32, #tpu.memory_space<vmem>> -> memref<128xf32, #tpu.memory_space<vmem>>
      %dma_wait3A_81 = tpu.memref_slice %arg13[%add3A_44] : memref<10240xf32, #tpu.memory_space<vmem_shared>> -> memref<128xf32, #tpu.memory_space<vmem_shared>>
      %dma_wait3A_82 = tpu.memref_slice %arg13[%add3A_44] : memref<10240xf32, #tpu.memory_space<vmem_shared>> -> memref<128xf32, #tpu.memory_space<vmem_shared>>
      %dma_wait3A_83 = arith.constant 0 : i32
      %dma_wait3A_84 = tpu.memref_slice %arg9[%run_scoped3A_45, %dma_wait3A_83] : memref<128x128xf32, #tpu.memory_space<vmem>> -> memref<1x128xf32, #tpu.memory_space<vmem>>
      %dma_wait3A_85 = tpu.memref_squeeze %dma_wait3A_84 : memref<1x128xf32, #tpu.memory_space<vmem>> -> memref<128xf32, #tpu.memory_space<vmem>>
      tpu.wait_dma2 semaphore(%run_scoped3A_71 : memref<!tpu.dma_semaphore, #tpu.memory_space<semaphore_mem>>) src(%dma_wait3A_85 : memref<128xf32, #tpu.memory_space<vmem>>) dst(%dma_wait3A_82 : memref<128xf32, #tpu.memory_space<vmem_shared>>)
      tpu.yield
    }) : () -> ()
    %mul3A_46 = arith.constant 640 : i32
    %mul3A_47 = arith.muli %arg1, %mul3A_46 : i32
    %add3A_48 = arith.constant 256 : i32
    %add3A_49 = arith.addi %mul3A_47, %add3A_48 : i32
    %run_scoped3A_50 = arith.constant 0 : i32
    "tpu.region"() ({
      %run_scoped3A_71 = tpu.sem_alloc : memref<!tpu.dma_semaphore, #tpu.memory_space<semaphore_mem>>
      %dma_start3A = arith.constant 0 : i32
      %dma_start3A_72 = tpu.memref_slice %arg9[%run_scoped3A_50, %dma_start3A] : memref<128x128xf32, #tpu.memory_space<vmem>> -> memref<1x128xf32, #tpu.memory_space<vmem>>
      %dma_start3A_73 = tpu.memref_squeeze %dma_start3A_72 : memref<1x128xf32, #tpu.memory_space<vmem>> -> memref<128xf32, #tpu.memory_space<vmem>>
      %dma_start3A_74 = tpu.memref_slice %arg13[%add3A_49] : memref<10240xf32, #tpu.memory_space<vmem_shared>> -> memref<128xf32, #tpu.memory_space<vmem_shared>>
      %dma_start3A_75 = tpu.memref_slice %arg13[%add3A_49] : memref<10240xf32, #tpu.memory_space<vmem_shared>> -> memref<128xf32, #tpu.memory_space<vmem_shared>>
      %dma_start3A_76 = arith.constant 0 : i32
      %dma_start3A_77 = tpu.memref_slice %arg9[%run_scoped3A_50, %dma_start3A_76] : memref<128x128xf32, #tpu.memory_space<vmem>> -> memref<1x128xf32, #tpu.memory_space<vmem>>
      %dma_start3A_78 = tpu.memref_squeeze %dma_start3A_77 : memref<1x128xf32, #tpu.memory_space<vmem>> -> memref<128xf32, #tpu.memory_space<vmem>>
      tpu.enqueue_dma source(%dma_start3A_78 : memref<128xf32, #tpu.memory_space<vmem>>) target(%dma_start3A_75 : memref<128xf32, #tpu.memory_space<vmem_shared>>) target_semaphore(%run_scoped3A_71 : memref<!tpu.dma_semaphore, #tpu.memory_space<semaphore_mem>>)
      %dma_wait3A = arith.constant 0 : i32
      %dma_wait3A_79 = tpu.memref_slice %arg9[%run_scoped3A_50, %dma_wait3A] : memref<128x128xf32, #tpu.memory_space<vmem>> -> memref<1x128xf32, #tpu.memory_space<vmem>>
      %dma_wait3A_80 = tpu.memref_squeeze %dma_wait3A_79 : memref<1x128xf32, #tpu.memory_space<vmem>> -> memref<128xf32, #tpu.memory_space<vmem>>
      %dma_wait3A_81 = tpu.memref_slice %arg13[%add3A_49] : memref<10240xf32, #tpu.memory_space<vmem_shared>> -> memref<128xf32, #tpu.memory_space<vmem_shared>>
      %dma_wait3A_82 = tpu.memref_slice %arg13[%add3A_49] : memref<10240xf32, #tpu.memory_space<vmem_shared>> -> memref<128xf32, #tpu.memory_space<vmem_shared>>
      %dma_wait3A_83 = arith.constant 0 : i32
      %dma_wait3A_84 = tpu.memref_slice %arg9[%run_scoped3A_50, %dma_wait3A_83] : memref<128x128xf32, #tpu.memory_space<vmem>> -> memref<1x128xf32, #tpu.memory_space<vmem>>
      %dma_wait3A_85 = tpu.memref_squeeze %dma_wait3A_84 : memref<1x128xf32, #tpu.memory_space<vmem>> -> memref<128xf32, #tpu.memory_space<vmem>>
      tpu.wait_dma2 semaphore(%run_scoped3A_71 : memref<!tpu.dma_semaphore, #tpu.memory_space<semaphore_mem>>) src(%dma_wait3A_85 : memref<128xf32, #tpu.memory_space<vmem>>) dst(%dma_wait3A_82 : memref<128xf32, #tpu.memory_space<vmem_shared>>)
      tpu.yield
    }) : () -> ()
    %mul3A_51 = arith.constant 640 : i32
    %mul3A_52 = arith.muli %arg1, %mul3A_51 : i32
    %add3A_53 = arith.constant 384 : i32
    %add3A_54 = arith.addi %mul3A_52, %add3A_53 : i32
    %run_scoped3A_55 = arith.constant 0 : i32
    "tpu.region"() ({
      %run_scoped3A_71 = tpu.sem_alloc : memref<!tpu.dma_semaphore, #tpu.memory_space<semaphore_mem>>
      %dma_start3A = arith.constant 0 : i32
      %dma_start3A_72 = tpu.memref_slice %arg9[%run_scoped3A_55, %dma_start3A] : memref<128x128xf32, #tpu.memory_space<vmem>> -> memref<1x128xf32, #tpu.memory_space<vmem>>
      %dma_start3A_73 = tpu.memref_squeeze %dma_start3A_72 : memref<1x128xf32, #tpu.memory_space<vmem>> -> memref<128xf32, #tpu.memory_space<vmem>>
      %dma_start3A_74 = tpu.memref_slice %arg13[%add3A_54] : memref<10240xf32, #tpu.memory_space<vmem_shared>> -> memref<128xf32, #tpu.memory_space<vmem_shared>>
      %dma_start3A_75 = tpu.memref_slice %arg13[%add3A_54] : memref<10240xf32, #tpu.memory_space<vmem_shared>> -> memref<128xf32, #tpu.memory_space<vmem_shared>>
      %dma_start3A_76 = arith.constant 0 : i32
      %dma_start3A_77 = tpu.memref_slice %arg9[%run_scoped3A_55, %dma_start3A_76] : memref<128x128xf32, #tpu.memory_space<vmem>> -> memref<1x128xf32, #tpu.memory_space<vmem>>
      %dma_start3A_78 = tpu.memref_squeeze %dma_start3A_77 : memref<1x128xf32, #tpu.memory_space<vmem>> -> memref<128xf32, #tpu.memory_space<vmem>>
      tpu.enqueue_dma source(%dma_start3A_78 : memref<128xf32, #tpu.memory_space<vmem>>) target(%dma_start3A_75 : memref<128xf32, #tpu.memory_space<vmem_shared>>) target_semaphore(%run_scoped3A_71 : memref<!tpu.dma_semaphore, #tpu.memory_space<semaphore_mem>>)
      %dma_wait3A = arith.constant 0 : i32
      %dma_wait3A_79 = tpu.memref_slice %arg9[%run_scoped3A_55, %dma_wait3A] : memref<128x128xf32, #tpu.memory_space<vmem>> -> memref<1x128xf32, #tpu.memory_space<vmem>>
      %dma_wait3A_80 = tpu.memref_squeeze %dma_wait3A_79 : memref<1x128xf32, #tpu.memory_space<vmem>> -> memref<128xf32, #tpu.memory_space<vmem>>
      %dma_wait3A_81 = tpu.memref_slice %arg13[%add3A_54] : memref<10240xf32, #tpu.memory_space<vmem_shared>> -> memref<128xf32, #tpu.memory_space<vmem_shared>>
      %dma_wait3A_82 = tpu.memref_slice %arg13[%add3A_54] : memref<10240xf32, #tpu.memory_space<vmem_shared>> -> memref<128xf32, #tpu.memory_space<vmem_shared>>
      %dma_wait3A_83 = arith.constant 0 : i32
      %dma_wait3A_84 = tpu.memref_slice %arg9[%run_scoped3A_55, %dma_wait3A_83] : memref<128x128xf32, #tpu.memory_space<vmem>> -> memref<1x128xf32, #tpu.memory_space<vmem>>
      %dma_wait3A_85 = tpu.memref_squeeze %dma_wait3A_84 : memref<1x128xf32, #tpu.memory_space<vmem>> -> memref<128xf32, #tpu.memory_space<vmem>>
      tpu.wait_dma2 semaphore(%run_scoped3A_71 : memref<!tpu.dma_semaphore, #tpu.memory_space<semaphore_mem>>) src(%dma_wait3A_85 : memref<128xf32, #tpu.memory_space<vmem>>) dst(%dma_wait3A_82 : memref<128xf32, #tpu.memory_space<vmem_shared>>)
      tpu.yield
    }) : () -> ()
    %mul3A_56 = arith.constant 640 : i32
    %mul3A_57 = arith.muli %arg1, %mul3A_56 : i32
    %add3A_58 = arith.constant 512 : i32
    %add3A_59 = arith.addi %mul3A_57, %add3A_58 : i32
    %run_scoped3A_60 = arith.constant 0 : i32
    "tpu.region"() ({
      %run_scoped3A_71 = tpu.sem_alloc : memref<!tpu.dma_semaphore, #tpu.memory_space<semaphore_mem>>
      %dma_start3A = arith.constant 0 : i32
      %dma_start3A_72 = tpu.memref_slice %arg9[%run_scoped3A_60, %dma_start3A] : memref<128x128xf32, #tpu.memory_space<vmem>> -> memref<1x128xf32, #tpu.memory_space<vmem>>
      %dma_start3A_73 = tpu.memref_squeeze %dma_start3A_72 : memref<1x128xf32, #tpu.memory_space<vmem>> -> memref<128xf32, #tpu.memory_space<vmem>>
      %dma_start3A_74 = tpu.memref_slice %arg13[%add3A_59] : memref<10240xf32, #tpu.memory_space<vmem_shared>> -> memref<128xf32, #tpu.memory_space<vmem_shared>>
      %dma_start3A_75 = tpu.memref_slice %arg13[%add3A_59] : memref<10240xf32, #tpu.memory_space<vmem_shared>> -> memref<128xf32, #tpu.memory_space<vmem_shared>>
      %dma_start3A_76 = arith.constant 0 : i32
      %dma_start3A_77 = tpu.memref_slice %arg9[%run_scoped3A_60, %dma_start3A_76] : memref<128x128xf32, #tpu.memory_space<vmem>> -> memref<1x128xf32, #tpu.memory_space<vmem>>
      %dma_start3A_78 = tpu.memref_squeeze %dma_start3A_77 : memref<1x128xf32, #tpu.memory_space<vmem>> -> memref<128xf32, #tpu.memory_space<vmem>>
      tpu.enqueue_dma source(%dma_start3A_78 : memref<128xf32, #tpu.memory_space<vmem>>) target(%dma_start3A_75 : memref<128xf32, #tpu.memory_space<vmem_shared>>) target_semaphore(%run_scoped3A_71 : memref<!tpu.dma_semaphore, #tpu.memory_space<semaphore_mem>>)
      %dma_wait3A = arith.constant 0 : i32
      %dma_wait3A_79 = tpu.memref_slice %arg9[%run_scoped3A_60, %dma_wait3A] : memref<128x128xf32, #tpu.memory_space<vmem>> -> memref<1x128xf32, #tpu.memory_space<vmem>>
      %dma_wait3A_80 = tpu.memref_squeeze %dma_wait3A_79 : memref<1x128xf32, #tpu.memory_space<vmem>> -> memref<128xf32, #tpu.memory_space<vmem>>
      %dma_wait3A_81 = tpu.memref_slice %arg13[%add3A_59] : memref<10240xf32, #tpu.memory_space<vmem_shared>> -> memref<128xf32, #tpu.memory_space<vmem_shared>>
      %dma_wait3A_82 = tpu.memref_slice %arg13[%add3A_59] : memref<10240xf32, #tpu.memory_space<vmem_shared>> -> memref<128xf32, #tpu.memory_space<vmem_shared>>
      %dma_wait3A_83 = arith.constant 0 : i32
      %dma_wait3A_84 = tpu.memref_slice %arg9[%run_scoped3A_60, %dma_wait3A_83] : memref<128x128xf32, #tpu.memory_space<vmem>> -> memref<1x128xf32, #tpu.memory_space<vmem>>
      %dma_wait3A_85 = tpu.memref_squeeze %dma_wait3A_84 : memref<1x128xf32, #tpu.memory_space<vmem>> -> memref<128xf32, #tpu.memory_space<vmem>>
      tpu.wait_dma2 semaphore(%run_scoped3A_71 : memref<!tpu.dma_semaphore, #tpu.memory_space<semaphore_mem>>) src(%dma_wait3A_85 : memref<128xf32, #tpu.memory_space<vmem>>) dst(%dma_wait3A_82 : memref<128xf32, #tpu.memory_space<vmem_shared>>)
      tpu.yield
    }) : () -> ()
    %barrier3A = arith.constant 0 : index
    tpu.barrier barrier_id(%barrier3A)
    %scan3A_61 = arith.constant 0 : i32
    %scan3A_62 = arith.constant 0 : i32
    %scan3A_63 = arith.constant 79 : i32
    %scan3A_64 = arith.addi %scan3A_62, %scan3A_63 : i32
    %scan3A_65 = arith.constant 1 : i32
    %scan3A_66 = scf.for %scan3A_71 = %scan3A_62 to %scan3A_64 step %scan3A_65 iter_args(%scan3A_72 = %scan3A_61) -> (i32)  : i32 {
      %dma_start3A = arith.constant 0 : i32
      %dma_start3A_73 = tpu.memref_slice %arg7[%scan3A_71, %dma_start3A] : memref<79x128xi32, #tpu.memory_space<vmem>> -> memref<1x128xi32, #tpu.memory_space<vmem>>
      %dma_start3A_74 = tpu.memref_squeeze %dma_start3A_73 : memref<1x128xi32, #tpu.memory_space<vmem>> -> memref<128xi32, #tpu.memory_space<vmem>>
      %dma_start3A_75 = arith.constant 0 : i32
      %dma_start3A_76 = arith.constant 0 : i32
      %dma_start3A_77 = tpu.memref_slice %arg2[%dma_start3A_75, %dma_start3A_76] : memref<10000x128xf32, #tpu.memory_space<hbm>> -> memref<10000x128xf32, #tpu.memory_space<hbm>>
      tpu.enqueue_indirect_dma source(%dma_start3A_77 : memref<10000x128xf32, #tpu.memory_space<hbm>>) target(%arg9 : memref<128x128xf32, #tpu.memory_space<vmem>>) offsets(%dma_start3A_74 : memref<128xi32, #tpu.memory_space<vmem>>) semaphore(%arg11 : memref<!tpu.dma_semaphore, #tpu.memory_space<semaphore_mem>>)
      %dma_wait3A = arith.constant 0 : i32
      %dma_wait3A_78 = tpu.memref_slice %arg7[%scan3A_71, %dma_wait3A] : memref<79x128xi32, #tpu.memory_space<vmem>> -> memref<1x128xi32, #tpu.memory_space<vmem>>
      %dma_wait3A_79 = tpu.memref_squeeze %dma_wait3A_78 : memref<1x128xi32, #tpu.memory_space<vmem>> -> memref<128xi32, #tpu.memory_space<vmem>>
      %dma_wait3A_80 = arith.constant 0 : i32
      %dma_wait3A_81 = arith.constant 0 : i32
      %dma_wait3A_82 = tpu.memref_slice %arg2[%dma_wait3A_80, %dma_wait3A_81] : memref<10000x128xf32, #tpu.memory_space<hbm>> -> memref<10000x128xf32, #tpu.memory_space<hbm>>
      tpu.wait_indirect_dma semaphore(%arg11 : memref<!tpu.dma_semaphore, #tpu.memory_space<semaphore_mem>>) src(%dma_wait3A_82 : memref<10000x128xf32, #tpu.memory_space<hbm>>) dst(%arg9 : memref<128x128xf32, #tpu.memory_space<vmem>>)
      "tpu.region"() ({
        %run_scoped3A_84 = tpu.sem_alloc : memref<!tpu.dma_semaphore, #tpu.memory_space<semaphore_mem>>
        %dma_start3A_85 = arith.constant 0 : i32
        %dma_start3A_86 = tpu.memref_slice %arg8[%scan3A_71, %dma_start3A_85] : memref<79x128xi32, #tpu.memory_space<vmem>> -> memref<1x128xi32, #tpu.memory_space<vmem>>
        %dma_start3A_87 = tpu.memref_squeeze %dma_start3A_86 : memref<1x128xi32, #tpu.memory_space<vmem>> -> memref<128xi32, #tpu.memory_space<vmem>>
        %dma_start3A_88 = arith.constant 0 : i32
        %dma_start3A_89 = arith.constant 0 : i32
        %dma_start3A_90 = tpu.memref_slice %arg10[%dma_start3A_88, %dma_start3A_89] : memref<10240x128xf32, #tpu.memory_space<vmem_shared>> -> memref<10240x128xf32, #tpu.memory_space<vmem_shared>>
        tpu.enqueue_indirect_dma source(%arg9 : memref<128x128xf32, #tpu.memory_space<vmem>>) target(%dma_start3A_90 : memref<10240x128xf32, #tpu.memory_space<vmem_shared>>) offsets(%dma_start3A_87 : memref<128xi32, #tpu.memory_space<vmem>>) semaphore(%run_scoped3A_84 : memref<!tpu.dma_semaphore, #tpu.memory_space<semaphore_mem>>) {add = true}
        %dma_wait3A_91 = arith.constant 0 : i32
        %dma_wait3A_92 = tpu.memref_slice %arg8[%scan3A_71, %dma_wait3A_91] : memref<79x128xi32, #tpu.memory_space<vmem>> -> memref<1x128xi32, #tpu.memory_space<vmem>>
        %dma_wait3A_93 = tpu.memref_squeeze %dma_wait3A_92 : memref<1x128xi32, #tpu.memory_space<vmem>> -> memref<128xi32, #tpu.memory_space<vmem>>
        %dma_wait3A_94 = arith.constant 0 : i32
        %dma_wait3A_95 = arith.constant 0 : i32
        %dma_wait3A_96 = tpu.memref_slice %arg10[%dma_wait3A_94, %dma_wait3A_95] : memref<10240x128xf32, #tpu.memory_space<vmem_shared>> -> memref<10240x128xf32, #tpu.memory_space<vmem_shared>>
        tpu.wait_indirect_dma semaphore(%run_scoped3A_84 : memref<!tpu.dma_semaphore, #tpu.memory_space<semaphore_mem>>) src(%arg9 : memref<128x128xf32, #tpu.memory_space<vmem>>) dst(%dma_wait3A_96 : memref<10240x128xf32, #tpu.memory_space<vmem_shared>>)
        tpu.yield
      }) : () -> ()
      "tpu.region"() ({
        %run_scoped3A_84 = tpu.sem_alloc : memref<!tpu.dma_semaphore, #tpu.memory_space<semaphore_mem>>
        %dma_start3A_85 = arith.constant 0 : i32
        %dma_start3A_86 = tpu.memref_slice %arg8[%scan3A_71, %dma_start3A_85] : memref<79x128xi32, #tpu.memory_space<vmem>> -> memref<1x128xi32, #tpu.memory_space<vmem>>
        %dma_start3A_87 = tpu.memref_squeeze %dma_start3A_86 : memref<1x128xi32, #tpu.memory_space<vmem>> -> memref<128xi32, #tpu.memory_space<vmem>>
        %dma_start3A_88 = arith.constant 0 : i32
        %dma_start3A_89 = tpu.memref_slice %arg13[%dma_start3A_88] : memref<10240xf32, #tpu.memory_space<vmem_shared>> -> memref<10240xf32, #tpu.memory_space<vmem_shared>>
        tpu.enqueue_indirect_dma source(%arg12 : memref<128xf32, #tpu.memory_space<vmem>>) target(%dma_start3A_89 : memref<10240xf32, #tpu.memory_space<vmem_shared>>) offsets(%dma_start3A_87 : memref<128xi32, #tpu.memory_space<vmem>>) semaphore(%run_scoped3A_84 : memref<!tpu.dma_semaphore, #tpu.memory_space<semaphore_mem>>) {add = true}
        %dma_wait3A_90 = arith.constant 0 : i32
        %dma_wait3A_91 = tpu.memref_slice %arg8[%scan3A_71, %dma_wait3A_90] : memref<79x128xi32, #tpu.memory_space<vmem>> -> memref<1x128xi32, #tpu.memory_space<vmem>>
        %dma_wait3A_92 = tpu.memref_squeeze %dma_wait3A_91 : memref<1x128xi32, #tpu.memory_space<vmem>> -> memref<128xi32, #tpu.memory_space<vmem>>
        %dma_wait3A_93 = arith.constant 0 : i32
        %dma_wait3A_94 = tpu.memref_slice %arg13[%dma_wait3A_93] : memref<10240xf32, #tpu.memory_space<vmem_shared>> -> memref<10240xf32, #tpu.memory_space<vmem_shared>>
        tpu.wait_indirect_dma semaphore(%run_scoped3A_84 : memref<!tpu.dma_semaphore, #tpu.memory_space<semaphore_mem>>) src(%arg12 : memref<128xf32, #tpu.memory_space<vmem>>) dst(%dma_wait3A_94 : memref<10240xf32, #tpu.memory_space<vmem_shared>>)
        tpu.yield
      }) : () -> ()
      %scan3A_83 = arith.constant 0 : i32
      scf.yield %scan3A_83 : i32
    }
    %scan3A_67 = arith.constant 79 : i32
    %barrier3A_68 = arith.constant 0 : index
    tpu.barrier barrier_id(%barrier3A_68)
    %mul3A_69 = arith.constant 640 : i32
    %mul3A_70 = arith.muli %arg1, %mul3A_69 : i32
    "tpu.region"() ({
      %run_scoped3A_71 = tpu.sem_alloc : memref<!tpu.dma_semaphore, #tpu.memory_space<semaphore_mem>>
      %dma_start3A = arith.constant 0 : i32
      %dma_start3A_72 = tpu.memref_slice %arg5[%arg0, %mul3A_70, %dma_start3A] : memref<2x10240x128xf32, #tpu.memory_space<hbm>> -> memref<1x640x128xf32, #tpu.memory_space<hbm>>
      %dma_start3A_73 = tpu.memref_squeeze %dma_start3A_72 : memref<1x640x128xf32, #tpu.memory_space<hbm>> -> memref<640x128xf32, #tpu.memory_space<hbm>>
      %dma_start3A_74 = arith.constant 0 : i32
      %dma_start3A_75 = tpu.memref_slice %arg10[%mul3A_70, %dma_start3A_74] : memref<10240x128xf32, #tpu.memory_space<vmem_shared>> -> memref<640x128xf32, #tpu.memory_space<vmem_shared>>
      tpu.enqueue_dma source(%dma_start3A_75 : memref<640x128xf32, #tpu.memory_space<vmem_shared>>) target(%dma_start3A_73 : memref<640x128xf32, #tpu.memory_space<hbm>>) target_semaphore(%run_scoped3A_71 : memref<!tpu.dma_semaphore, #tpu.memory_space<semaphore_mem>>)
      %dma_wait3A = arith.constant 0 : i32
      %dma_wait3A_76 = tpu.memref_slice %arg5[%arg0, %mul3A_70, %dma_wait3A] : memref<2x10240x128xf32, #tpu.memory_space<hbm>> -> memref<1x640x128xf32, #tpu.memory_space<hbm>>
      %dma_wait3A_77 = tpu.memref_squeeze %dma_wait3A_76 : memref<1x640x128xf32, #tpu.memory_space<hbm>> -> memref<640x128xf32, #tpu.memory_space<hbm>>
      %dma_wait3A_78 = arith.constant 0 : i32
      %dma_wait3A_79 = tpu.memref_slice %arg10[%mul3A_70, %dma_wait3A_78] : memref<10240x128xf32, #tpu.memory_space<vmem_shared>> -> memref<640x128xf32, #tpu.memory_space<vmem_shared>>
      tpu.wait_dma2 semaphore(%run_scoped3A_71 : memref<!tpu.dma_semaphore, #tpu.memory_space<semaphore_mem>>) src(%dma_wait3A_79 : memref<640x128xf32, #tpu.memory_space<vmem_shared>>) dst(%dma_wait3A_77 : memref<640x128xf32, #tpu.memory_space<hbm>>)
      tpu.yield
    }) : () -> ()
    "tpu.region"() ({
      %run_scoped3A_71 = tpu.sem_alloc : memref<!tpu.dma_semaphore, #tpu.memory_space<semaphore_mem>>
      %dma_start3A = tpu.memref_slice %arg6[%arg0, %mul3A_70] : memref<2x10240xf32, #tpu.memory_space<hbm>> -> memref<1x640xf32, #tpu.memory_space<hbm>>
      %dma_start3A_72 = tpu.memref_squeeze %dma_start3A : memref<1x640xf32, #tpu.memory_space<hbm>> -> memref<640xf32, #tpu.memory_space<hbm>>
      %dma_start3A_73 = tpu.memref_slice %arg13[%mul3A_70] : memref<10240xf32, #tpu.memory_space<vmem_shared>> -> memref<640xf32, #tpu.memory_space<vmem_shared>>
      tpu.enqueue_dma source(%dma_start3A_73 : memref<640xf32, #tpu.memory_space<vmem_shared>>) target(%dma_start3A_72 : memref<640xf32, #tpu.memory_space<hbm>>) target_semaphore(%run_scoped3A_71 : memref<!tpu.dma_semaphore, #tpu.memory_space<semaphore_mem>>)
      %dma_wait3A = tpu.memref_slice %arg6[%arg0, %mul3A_70] : memref<2x10240xf32, #tpu.memory_space<hbm>> -> memref<1x640xf32, #tpu.memory_space<hbm>>
      %dma_wait3A_74 = tpu.memref_squeeze %dma_wait3A : memref<1x640xf32, #tpu.memory_space<hbm>> -> memref<640xf32, #tpu.memory_space<hbm>>
      %dma_wait3A_75 = tpu.memref_slice %arg13[%mul3A_70] : memref<10240xf32, #tpu.memory_space<vmem_shared>> -> memref<640xf32, #tpu.memory_space<vmem_shared>>
      tpu.wait_dma2 semaphore(%run_scoped3A_71 : memref<!tpu.dma_semaphore, #tpu.memory_space<semaphore_mem>>) src(%dma_wait3A_75 : memref<640xf32, #tpu.memory_space<vmem_shared>>) dst(%dma_wait3A_74 : memref<640xf32, #tpu.memory_space<hbm>>)
      tpu.yield
    }) : () -> ()
    return
  }
}

#map = affine_map<(d0, d1) -> (0, 0)>
#map1 = affine_map<(d0, d1) -> (0, 0, 0)>
module attributes {stable_mosaic.version = 14 : i64} {
  func.func @sc_agg(%arg0: i32, %arg1: i32, %arg2: memref<10000x128xf32, #tpu.memory_space<hbm>>, %arg3: memref<32x79x128xi32, #tpu.memory_space<hbm>>, %arg4: memref<32x79x128xi32, #tpu.memory_space<hbm>>, %arg5: memref<2x10240x128xf32, #tpu.memory_space<hbm>>, %arg6: memref<79x128xi32, #tpu.memory_space<vmem>>, %arg7: memref<79x128xi32, #tpu.memory_space<vmem>>, %arg8: memref<128x128xf32, #tpu.memory_space<vmem>>, %arg9: memref<10240x128xf32, #tpu.memory_space<vmem_shared>>, %arg10: memref<!tpu.dma_semaphore, #tpu.memory_space<semaphore_mem>>) attributes {dimension_semantics = [#tpu.dimension_semantics<core_parallel>, #tpu.dimension_semantics<subcore_parallel>], iteration_bounds = array<i64: 2, 16>, scalar_prefetch = 0 : i64, scratch_operands = 5 : i64, tpu.core_type = #tpu.core_type<sc_vector_subcore>, window_params = [{transform_indices = #map}, {transform_indices = #map1}, {transform_indices = #map1}, {transform_indices = #map1}]} {
    %mul3A = arith.constant 16 : i32
    %mul3A_0 = arith.muli %arg0, %mul3A : i32
    %add3A = arith.addi %mul3A_0, %arg1 : i32
    "tpu.region"() ({
      %run_scoped3A = tpu.sem_alloc : memref<!tpu.dma_semaphore, #tpu.memory_space<semaphore_mem>>
      %dma_start3A = arith.constant 0 : i32
      %dma_start3A_40 = arith.constant 0 : i32
      %dma_start3A_41 = tpu.memref_slice %arg3[%add3A, %dma_start3A, %dma_start3A_40] : memref<32x79x128xi32, #tpu.memory_space<hbm>> -> memref<1x79x128xi32, #tpu.memory_space<hbm>>
      %dma_start3A_42 = tpu.memref_squeeze %dma_start3A_41 : memref<1x79x128xi32, #tpu.memory_space<hbm>> -> memref<79x128xi32, #tpu.memory_space<hbm>>
      %dma_start3A_43 = arith.constant 0 : i32
      %dma_start3A_44 = arith.constant 0 : i32
      %dma_start3A_45 = tpu.memref_slice %arg3[%add3A, %dma_start3A_43, %dma_start3A_44] : memref<32x79x128xi32, #tpu.memory_space<hbm>> -> memref<1x79x128xi32, #tpu.memory_space<hbm>>
      %dma_start3A_46 = tpu.memref_squeeze %dma_start3A_45 : memref<1x79x128xi32, #tpu.memory_space<hbm>> -> memref<79x128xi32, #tpu.memory_space<hbm>>
      tpu.enqueue_dma source(%dma_start3A_46 : memref<79x128xi32, #tpu.memory_space<hbm>>) target(%arg6 : memref<79x128xi32, #tpu.memory_space<vmem>>) target_semaphore(%run_scoped3A : memref<!tpu.dma_semaphore, #tpu.memory_space<semaphore_mem>>)
      %dma_wait3A = arith.constant 0 : i32
      %dma_wait3A_47 = arith.constant 0 : i32
      %dma_wait3A_48 = tpu.memref_slice %arg3[%add3A, %dma_wait3A, %dma_wait3A_47] : memref<32x79x128xi32, #tpu.memory_space<hbm>> -> memref<1x79x128xi32, #tpu.memory_space<hbm>>
      %dma_wait3A_49 = tpu.memref_squeeze %dma_wait3A_48 : memref<1x79x128xi32, #tpu.memory_space<hbm>> -> memref<79x128xi32, #tpu.memory_space<hbm>>
      %dma_wait3A_50 = arith.constant 0 : i32
      %dma_wait3A_51 = arith.constant 0 : i32
      %dma_wait3A_52 = tpu.memref_slice %arg3[%add3A, %dma_wait3A_50, %dma_wait3A_51] : memref<32x79x128xi32, #tpu.memory_space<hbm>> -> memref<1x79x128xi32, #tpu.memory_space<hbm>>
      %dma_wait3A_53 = tpu.memref_squeeze %dma_wait3A_52 : memref<1x79x128xi32, #tpu.memory_space<hbm>> -> memref<79x128xi32, #tpu.memory_space<hbm>>
      tpu.wait_dma2 semaphore(%run_scoped3A : memref<!tpu.dma_semaphore, #tpu.memory_space<semaphore_mem>>) src(%dma_wait3A_53 : memref<79x128xi32, #tpu.memory_space<hbm>>) dst(%arg6 : memref<79x128xi32, #tpu.memory_space<vmem>>)
      tpu.yield
    }) : () -> ()
    "tpu.region"() ({
      %run_scoped3A = tpu.sem_alloc : memref<!tpu.dma_semaphore, #tpu.memory_space<semaphore_mem>>
      %dma_start3A = arith.constant 0 : i32
      %dma_start3A_40 = arith.constant 0 : i32
      %dma_start3A_41 = tpu.memref_slice %arg4[%add3A, %dma_start3A, %dma_start3A_40] : memref<32x79x128xi32, #tpu.memory_space<hbm>> -> memref<1x79x128xi32, #tpu.memory_space<hbm>>
      %dma_start3A_42 = tpu.memref_squeeze %dma_start3A_41 : memref<1x79x128xi32, #tpu.memory_space<hbm>> -> memref<79x128xi32, #tpu.memory_space<hbm>>
      %dma_start3A_43 = arith.constant 0 : i32
      %dma_start3A_44 = arith.constant 0 : i32
      %dma_start3A_45 = tpu.memref_slice %arg4[%add3A, %dma_start3A_43, %dma_start3A_44] : memref<32x79x128xi32, #tpu.memory_space<hbm>> -> memref<1x79x128xi32, #tpu.memory_space<hbm>>
      %dma_start3A_46 = tpu.memref_squeeze %dma_start3A_45 : memref<1x79x128xi32, #tpu.memory_space<hbm>> -> memref<79x128xi32, #tpu.memory_space<hbm>>
      tpu.enqueue_dma source(%dma_start3A_46 : memref<79x128xi32, #tpu.memory_space<hbm>>) target(%arg7 : memref<79x128xi32, #tpu.memory_space<vmem>>) target_semaphore(%run_scoped3A : memref<!tpu.dma_semaphore, #tpu.memory_space<semaphore_mem>>)
      %dma_wait3A = arith.constant 0 : i32
      %dma_wait3A_47 = arith.constant 0 : i32
      %dma_wait3A_48 = tpu.memref_slice %arg4[%add3A, %dma_wait3A, %dma_wait3A_47] : memref<32x79x128xi32, #tpu.memory_space<hbm>> -> memref<1x79x128xi32, #tpu.memory_space<hbm>>
      %dma_wait3A_49 = tpu.memref_squeeze %dma_wait3A_48 : memref<1x79x128xi32, #tpu.memory_space<hbm>> -> memref<79x128xi32, #tpu.memory_space<hbm>>
      %dma_wait3A_50 = arith.constant 0 : i32
      %dma_wait3A_51 = arith.constant 0 : i32
      %dma_wait3A_52 = tpu.memref_slice %arg4[%add3A, %dma_wait3A_50, %dma_wait3A_51] : memref<32x79x128xi32, #tpu.memory_space<hbm>> -> memref<1x79x128xi32, #tpu.memory_space<hbm>>
      %dma_wait3A_53 = tpu.memref_squeeze %dma_wait3A_52 : memref<1x79x128xi32, #tpu.memory_space<hbm>> -> memref<79x128xi32, #tpu.memory_space<hbm>>
      tpu.wait_dma2 semaphore(%run_scoped3A : memref<!tpu.dma_semaphore, #tpu.memory_space<semaphore_mem>>) src(%dma_wait3A_53 : memref<79x128xi32, #tpu.memory_space<hbm>>) dst(%arg7 : memref<79x128xi32, #tpu.memory_space<vmem>>)
      tpu.yield
    }) : () -> ()
    %broadcast_in_dim3A = arith.constant 0.000000e+00 : f32
    %broadcast_in_dim3A_1 = vector.broadcast %broadcast_in_dim3A : f32 to vector<16xf32>
    %broadcast_in_dim3A_2 = arith.constant 1.000000e+00 : f32
    %broadcast_in_dim3A_3 = vector.broadcast %broadcast_in_dim3A_2 : f32 to vector<16xf32>
    %scan3A = arith.constant 0 : i32
    %scan3A_4 = arith.constant 0 : i32
    %scan3A_5 = arith.constant 128 : i32
    %scan3A_6 = arith.addi %scan3A_4, %scan3A_5 : i32
    %scan3A_7 = arith.constant 1 : i32
    %scan3A_8 = scf.for %scan3A_40 = %scan3A_4 to %scan3A_6 step %scan3A_7 iter_args(%scan3A_41 = %scan3A) -> (i32)  : i32 {
      %swap3A = arith.index_cast %scan3A_40 : i32 to index
      %swap3A_42 = arith.constant 0 : index
      %swap3A_43 = tpu.vector_load %arg8[%swap3A, %swap3A_42] {strides = array<i32>} : memref<128x128xf32, #tpu.memory_space<vmem>>, vector<1x16xf32>,
      %swap3A_44 = vector.shape_cast %swap3A_43 : vector<1x16xf32> to vector<16xf32>
      %swap3A_45 = vector.shape_cast %broadcast_in_dim3A_1 : vector<16xf32> to vector<1x16xf32>
      tpu.vector_store %arg8[%swap3A, %swap3A_42], %swap3A_45 {strides = array<i32>} : memref<128x128xf32, #tpu.memory_space<vmem>>, vector<1x16xf32>,
      %swap3A_46 = arith.index_cast %scan3A_40 : i32 to index
      %swap3A_47 = arith.constant 16 : index
      %swap3A_48 = tpu.vector_load %arg8[%swap3A_46, %swap3A_47] {strides = array<i32>} : memref<128x128xf32, #tpu.memory_space<vmem>>, vector<1x16xf32>,
      %swap3A_49 = vector.shape_cast %swap3A_48 : vector<1x16xf32> to vector<16xf32>
      %swap3A_50 = vector.shape_cast %broadcast_in_dim3A_1 : vector<16xf32> to vector<1x16xf32>
      tpu.vector_store %arg8[%swap3A_46, %swap3A_47], %swap3A_50 {strides = array<i32>} : memref<128x128xf32, #tpu.memory_space<vmem>>, vector<1x16xf32>,
      %swap3A_51 = arith.index_cast %scan3A_40 : i32 to index
      %swap3A_52 = arith.constant 32 : index
      %swap3A_53 = tpu.vector_load %arg8[%swap3A_51, %swap3A_52] {strides = array<i32>} : memref<128x128xf32, #tpu.memory_space<vmem>>, vector<1x16xf32>,
      %swap3A_54 = vector.shape_cast %swap3A_53 : vector<1x16xf32> to vector<16xf32>
      %swap3A_55 = vector.shape_cast %broadcast_in_dim3A_1 : vector<16xf32> to vector<1x16xf32>
      tpu.vector_store %arg8[%swap3A_51, %swap3A_52], %swap3A_55 {strides = array<i32>} : memref<128x128xf32, #tpu.memory_space<vmem>>, vector<1x16xf32>,
      %swap3A_56 = arith.index_cast %scan3A_40 : i32 to index
      %swap3A_57 = arith.constant 48 : index
      %swap3A_58 = tpu.vector_load %arg8[%swap3A_56, %swap3A_57] {strides = array<i32>} : memref<128x128xf32, #tpu.memory_space<vmem>>, vector<1x16xf32>,
      %swap3A_59 = vector.shape_cast %swap3A_58 : vector<1x16xf32> to vector<16xf32>
      %swap3A_60 = vector.shape_cast %broadcast_in_dim3A_1 : vector<16xf32> to vector<1x16xf32>
      tpu.vector_store %arg8[%swap3A_56, %swap3A_57], %swap3A_60 {strides = array<i32>} : memref<128x128xf32, #tpu.memory_space<vmem>>, vector<1x16xf32>,
      %swap3A_61 = arith.index_cast %scan3A_40 : i32 to index
      %swap3A_62 = arith.constant 64 : index
      %swap3A_63 = tpu.vector_load %arg8[%swap3A_61, %swap3A_62] {strides = array<i32>} : memref<128x128xf32, #tpu.memory_space<vmem>>, vector<1x16xf32>,
      %swap3A_64 = vector.shape_cast %swap3A_63 : vector<1x16xf32> to vector<16xf32>
      %swap3A_65 = vector.shape_cast %broadcast_in_dim3A_1 : vector<16xf32> to vector<1x16xf32>
      tpu.vector_store %arg8[%swap3A_61, %swap3A_62], %swap3A_65 {strides = array<i32>} : memref<128x128xf32, #tpu.memory_space<vmem>>, vector<1x16xf32>,
      %swap3A_66 = arith.index_cast %scan3A_40 : i32 to index
      %swap3A_67 = arith.constant 80 : index
      %swap3A_68 = tpu.vector_load %arg8[%swap3A_66, %swap3A_67] {strides = array<i32>} : memref<128x128xf32, #tpu.memory_space<vmem>>, vector<1x16xf32>,
      %swap3A_69 = vector.shape_cast %swap3A_68 : vector<1x16xf32> to vector<16xf32>
      %swap3A_70 = vector.shape_cast %broadcast_in_dim3A_1 : vector<16xf32> to vector<1x16xf32>
      tpu.vector_store %arg8[%swap3A_66, %swap3A_67], %swap3A_70 {strides = array<i32>} : memref<128x128xf32, #tpu.memory_space<vmem>>, vector<1x16xf32>,
      %swap3A_71 = arith.index_cast %scan3A_40 : i32 to index
      %swap3A_72 = arith.constant 96 : index
      %swap3A_73 = tpu.vector_load %arg8[%swap3A_71, %swap3A_72] {strides = array<i32>} : memref<128x128xf32, #tpu.memory_space<vmem>>, vector<1x16xf32>,
      %swap3A_74 = vector.shape_cast %swap3A_73 : vector<1x16xf32> to vector<16xf32>
      %swap3A_75 = vector.shape_cast %broadcast_in_dim3A_1 : vector<16xf32> to vector<1x16xf32>
      tpu.vector_store %arg8[%swap3A_71, %swap3A_72], %swap3A_75 {strides = array<i32>} : memref<128x128xf32, #tpu.memory_space<vmem>>, vector<1x16xf32>,
      %swap3A_76 = arith.index_cast %scan3A_40 : i32 to index
      %swap3A_77 = arith.constant 112 : index
      %swap3A_78 = tpu.vector_load %arg8[%swap3A_76, %swap3A_77] {strides = array<i32>} : memref<128x128xf32, #tpu.memory_space<vmem>>, vector<1x16xf32>,
      %swap3A_79 = vector.shape_cast %swap3A_78 : vector<1x16xf32> to vector<16xf32>
      %swap3A_80 = vector.shape_cast %broadcast_in_dim3A_1 : vector<16xf32> to vector<1x16xf32>
      tpu.vector_store %arg8[%swap3A_76, %swap3A_77], %swap3A_80 {strides = array<i32>} : memref<128x128xf32, #tpu.memory_space<vmem>>, vector<1x16xf32>,
      %scan3A_81 = arith.constant 0 : i32
      scf.yield %scan3A_81 : i32
    }
    %scan3A_9 = arith.constant 128 : i32
    %mul3A_10 = arith.constant 640 : i32
    %mul3A_11 = arith.muli %arg1, %mul3A_10 : i32
    %add3A_12 = arith.constant 0 : i32
    %add3A_13 = arith.addi %mul3A_11, %add3A_12 : i32
    "tpu.region"() ({
      %run_scoped3A = tpu.sem_alloc : memref<!tpu.dma_semaphore, #tpu.memory_space<semaphore_mem>>
      %dma_start3A = arith.constant 0 : i32
      %dma_start3A_40 = tpu.memref_slice %arg9[%add3A_13, %dma_start3A] : memref<10240x128xf32, #tpu.memory_space<vmem_shared>> -> memref<128x128xf32, #tpu.memory_space<vmem_shared>>
      %dma_start3A_41 = arith.constant 0 : i32
      %dma_start3A_42 = tpu.memref_slice %arg9[%add3A_13, %dma_start3A_41] : memref<10240x128xf32, #tpu.memory_space<vmem_shared>> -> memref<128x128xf32, #tpu.memory_space<vmem_shared>>
      tpu.enqueue_dma source(%arg8 : memref<128x128xf32, #tpu.memory_space<vmem>>) target(%dma_start3A_42 : memref<128x128xf32, #tpu.memory_space<vmem_shared>>) target_semaphore(%run_scoped3A : memref<!tpu.dma_semaphore, #tpu.memory_space<semaphore_mem>>)
      %dma_wait3A = arith.constant 0 : i32
      %dma_wait3A_43 = tpu.memref_slice %arg9[%add3A_13, %dma_wait3A] : memref<10240x128xf32, #tpu.memory_space<vmem_shared>> -> memref<128x128xf32, #tpu.memory_space<vmem_shared>>
      %dma_wait3A_44 = arith.constant 0 : i32
      %dma_wait3A_45 = tpu.memref_slice %arg9[%add3A_13, %dma_wait3A_44] : memref<10240x128xf32, #tpu.memory_space<vmem_shared>> -> memref<128x128xf32, #tpu.memory_space<vmem_shared>>
      tpu.wait_dma2 semaphore(%run_scoped3A : memref<!tpu.dma_semaphore, #tpu.memory_space<semaphore_mem>>) src(%arg8 : memref<128x128xf32, #tpu.memory_space<vmem>>) dst(%dma_wait3A_45 : memref<128x128xf32, #tpu.memory_space<vmem_shared>>)
      tpu.yield
    }) : () -> ()
    %mul3A_14 = arith.constant 640 : i32
    %mul3A_15 = arith.muli %arg1, %mul3A_14 : i32
    %add3A_16 = arith.constant 128 : i32
    %add3A_17 = arith.addi %mul3A_15, %add3A_16 : i32
    "tpu.region"() ({
      %run_scoped3A = tpu.sem_alloc : memref<!tpu.dma_semaphore, #tpu.memory_space<semaphore_mem>>
      %dma_start3A = arith.constant 0 : i32
      %dma_start3A_40 = tpu.memref_slice %arg9[%add3A_17, %dma_start3A] : memref<10240x128xf32, #tpu.memory_space<vmem_shared>> -> memref<128x128xf32, #tpu.memory_space<vmem_shared>>
      %dma_start3A_41 = arith.constant 0 : i32
      %dma_start3A_42 = tpu.memref_slice %arg9[%add3A_17, %dma_start3A_41] : memref<10240x128xf32, #tpu.memory_space<vmem_shared>> -> memref<128x128xf32, #tpu.memory_space<vmem_shared>>
      tpu.enqueue_dma source(%arg8 : memref<128x128xf32, #tpu.memory_space<vmem>>) target(%dma_start3A_42 : memref<128x128xf32, #tpu.memory_space<vmem_shared>>) target_semaphore(%run_scoped3A : memref<!tpu.dma_semaphore, #tpu.memory_space<semaphore_mem>>)
      %dma_wait3A = arith.constant 0 : i32
      %dma_wait3A_43 = tpu.memref_slice %arg9[%add3A_17, %dma_wait3A] : memref<10240x128xf32, #tpu.memory_space<vmem_shared>> -> memref<128x128xf32, #tpu.memory_space<vmem_shared>>
      %dma_wait3A_44 = arith.constant 0 : i32
      %dma_wait3A_45 = tpu.memref_slice %arg9[%add3A_17, %dma_wait3A_44] : memref<10240x128xf32, #tpu.memory_space<vmem_shared>> -> memref<128x128xf32, #tpu.memory_space<vmem_shared>>
      tpu.wait_dma2 semaphore(%run_scoped3A : memref<!tpu.dma_semaphore, #tpu.memory_space<semaphore_mem>>) src(%arg8 : memref<128x128xf32, #tpu.memory_space<vmem>>) dst(%dma_wait3A_45 : memref<128x128xf32, #tpu.memory_space<vmem_shared>>)
      tpu.yield
    }) : () -> ()
    %mul3A_18 = arith.constant 640 : i32
    %mul3A_19 = arith.muli %arg1, %mul3A_18 : i32
    %add3A_20 = arith.constant 256 : i32
    %add3A_21 = arith.addi %mul3A_19, %add3A_20 : i32
    "tpu.region"() ({
      %run_scoped3A = tpu.sem_alloc : memref<!tpu.dma_semaphore, #tpu.memory_space<semaphore_mem>>
      %dma_start3A = arith.constant 0 : i32
      %dma_start3A_40 = tpu.memref_slice %arg9[%add3A_21, %dma_start3A] : memref<10240x128xf32, #tpu.memory_space<vmem_shared>> -> memref<128x128xf32, #tpu.memory_space<vmem_shared>>
      %dma_start3A_41 = arith.constant 0 : i32
      %dma_start3A_42 = tpu.memref_slice %arg9[%add3A_21, %dma_start3A_41] : memref<10240x128xf32, #tpu.memory_space<vmem_shared>> -> memref<128x128xf32, #tpu.memory_space<vmem_shared>>
      tpu.enqueue_dma source(%arg8 : memref<128x128xf32, #tpu.memory_space<vmem>>) target(%dma_start3A_42 : memref<128x128xf32, #tpu.memory_space<vmem_shared>>) target_semaphore(%run_scoped3A : memref<!tpu.dma_semaphore, #tpu.memory_space<semaphore_mem>>)
      %dma_wait3A = arith.constant 0 : i32
      %dma_wait3A_43 = tpu.memref_slice %arg9[%add3A_21, %dma_wait3A] : memref<10240x128xf32, #tpu.memory_space<vmem_shared>> -> memref<128x128xf32, #tpu.memory_space<vmem_shared>>
      %dma_wait3A_44 = arith.constant 0 : i32
      %dma_wait3A_45 = tpu.memref_slice %arg9[%add3A_21, %dma_wait3A_44] : memref<10240x128xf32, #tpu.memory_space<vmem_shared>> -> memref<128x128xf32, #tpu.memory_space<vmem_shared>>
      tpu.wait_dma2 semaphore(%run_scoped3A : memref<!tpu.dma_semaphore, #tpu.memory_space<semaphore_mem>>) src(%arg8 : memref<128x128xf32, #tpu.memory_space<vmem>>) dst(%dma_wait3A_45 : memref<128x128xf32, #tpu.memory_space<vmem_shared>>)
      tpu.yield
    }) : () -> ()
    %mul3A_22 = arith.constant 640 : i32
    %mul3A_23 = arith.muli %arg1, %mul3A_22 : i32
    %add3A_24 = arith.constant 384 : i32
    %add3A_25 = arith.addi %mul3A_23, %add3A_24 : i32
    "tpu.region"() ({
      %run_scoped3A = tpu.sem_alloc : memref<!tpu.dma_semaphore, #tpu.memory_space<semaphore_mem>>
      %dma_start3A = arith.constant 0 : i32
      %dma_start3A_40 = tpu.memref_slice %arg9[%add3A_25, %dma_start3A] : memref<10240x128xf32, #tpu.memory_space<vmem_shared>> -> memref<128x128xf32, #tpu.memory_space<vmem_shared>>
      %dma_start3A_41 = arith.constant 0 : i32
      %dma_start3A_42 = tpu.memref_slice %arg9[%add3A_25, %dma_start3A_41] : memref<10240x128xf32, #tpu.memory_space<vmem_shared>> -> memref<128x128xf32, #tpu.memory_space<vmem_shared>>
      tpu.enqueue_dma source(%arg8 : memref<128x128xf32, #tpu.memory_space<vmem>>) target(%dma_start3A_42 : memref<128x128xf32, #tpu.memory_space<vmem_shared>>) target_semaphore(%run_scoped3A : memref<!tpu.dma_semaphore, #tpu.memory_space<semaphore_mem>>)
      %dma_wait3A = arith.constant 0 : i32
      %dma_wait3A_43 = tpu.memref_slice %arg9[%add3A_25, %dma_wait3A] : memref<10240x128xf32, #tpu.memory_space<vmem_shared>> -> memref<128x128xf32, #tpu.memory_space<vmem_shared>>
      %dma_wait3A_44 = arith.constant 0 : i32
      %dma_wait3A_45 = tpu.memref_slice %arg9[%add3A_25, %dma_wait3A_44] : memref<10240x128xf32, #tpu.memory_space<vmem_shared>> -> memref<128x128xf32, #tpu.memory_space<vmem_shared>>
      tpu.wait_dma2 semaphore(%run_scoped3A : memref<!tpu.dma_semaphore, #tpu.memory_space<semaphore_mem>>) src(%arg8 : memref<128x128xf32, #tpu.memory_space<vmem>>) dst(%dma_wait3A_45 : memref<128x128xf32, #tpu.memory_space<vmem_shared>>)
      tpu.yield
    }) : () -> ()
    %mul3A_26 = arith.constant 640 : i32
    %mul3A_27 = arith.muli %arg1, %mul3A_26 : i32
    %add3A_28 = arith.constant 512 : i32
    %add3A_29 = arith.addi %mul3A_27, %add3A_28 : i32
    "tpu.region"() ({
      %run_scoped3A = tpu.sem_alloc : memref<!tpu.dma_semaphore, #tpu.memory_space<semaphore_mem>>
      %dma_start3A = arith.constant 0 : i32
      %dma_start3A_40 = tpu.memref_slice %arg9[%add3A_29, %dma_start3A] : memref<10240x128xf32, #tpu.memory_space<vmem_shared>> -> memref<128x128xf32, #tpu.memory_space<vmem_shared>>
      %dma_start3A_41 = arith.constant 0 : i32
      %dma_start3A_42 = tpu.memref_slice %arg9[%add3A_29, %dma_start3A_41] : memref<10240x128xf32, #tpu.memory_space<vmem_shared>> -> memref<128x128xf32, #tpu.memory_space<vmem_shared>>
      tpu.enqueue_dma source(%arg8 : memref<128x128xf32, #tpu.memory_space<vmem>>) target(%dma_start3A_42 : memref<128x128xf32, #tpu.memory_space<vmem_shared>>) target_semaphore(%run_scoped3A : memref<!tpu.dma_semaphore, #tpu.memory_space<semaphore_mem>>)
      %dma_wait3A = arith.constant 0 : i32
      %dma_wait3A_43 = tpu.memref_slice %arg9[%add3A_29, %dma_wait3A] : memref<10240x128xf32, #tpu.memory_space<vmem_shared>> -> memref<128x128xf32, #tpu.memory_space<vmem_shared>>
      %dma_wait3A_44 = arith.constant 0 : i32
      %dma_wait3A_45 = tpu.memref_slice %arg9[%add3A_29, %dma_wait3A_44] : memref<10240x128xf32, #tpu.memory_space<vmem_shared>> -> memref<128x128xf32, #tpu.memory_space<vmem_shared>>
      tpu.wait_dma2 semaphore(%run_scoped3A : memref<!tpu.dma_semaphore, #tpu.memory_space<semaphore_mem>>) src(%arg8 : memref<128x128xf32, #tpu.memory_space<vmem>>) dst(%dma_wait3A_45 : memref<128x128xf32, #tpu.memory_space<vmem_shared>>)
      tpu.yield
    }) : () -> ()
    %barrier3A = arith.constant 0 : index
    tpu.barrier barrier_id(%barrier3A)
    %scan3A_30 = arith.constant 0 : i32
    %scan3A_31 = arith.constant 0 : i32
    %scan3A_32 = arith.constant 79 : i32
    %scan3A_33 = arith.addi %scan3A_31, %scan3A_32 : i32
    %scan3A_34 = arith.constant 1 : i32
    %scan3A_35 = scf.for %scan3A_40 = %scan3A_31 to %scan3A_33 step %scan3A_34 iter_args(%scan3A_41 = %scan3A_30) -> (i32)  : i32 {
      %dma_start3A = arith.constant 0 : i32
      %dma_start3A_42 = tpu.memref_slice %arg6[%scan3A_40, %dma_start3A] : memref<79x128xi32, #tpu.memory_space<vmem>> -> memref<1x128xi32, #tpu.memory_space<vmem>>
      %dma_start3A_43 = tpu.memref_squeeze %dma_start3A_42 : memref<1x128xi32, #tpu.memory_space<vmem>> -> memref<128xi32, #tpu.memory_space<vmem>>
      %dma_start3A_44 = arith.constant 0 : i32
      %dma_start3A_45 = arith.constant 0 : i32
      %dma_start3A_46 = tpu.memref_slice %arg2[%dma_start3A_44, %dma_start3A_45] : memref<10000x128xf32, #tpu.memory_space<hbm>> -> memref<10000x128xf32, #tpu.memory_space<hbm>>
      tpu.enqueue_indirect_dma source(%dma_start3A_46 : memref<10000x128xf32, #tpu.memory_space<hbm>>) target(%arg8 : memref<128x128xf32, #tpu.memory_space<vmem>>) offsets(%dma_start3A_43 : memref<128xi32, #tpu.memory_space<vmem>>) semaphore(%arg10 : memref<!tpu.dma_semaphore, #tpu.memory_space<semaphore_mem>>)
      %dma_wait3A = arith.constant 0 : i32
      %dma_wait3A_47 = tpu.memref_slice %arg6[%scan3A_40, %dma_wait3A] : memref<79x128xi32, #tpu.memory_space<vmem>> -> memref<1x128xi32, #tpu.memory_space<vmem>>
      %dma_wait3A_48 = tpu.memref_squeeze %dma_wait3A_47 : memref<1x128xi32, #tpu.memory_space<vmem>> -> memref<128xi32, #tpu.memory_space<vmem>>
      %dma_wait3A_49 = arith.constant 0 : i32
      %dma_wait3A_50 = arith.constant 0 : i32
      %dma_wait3A_51 = tpu.memref_slice %arg2[%dma_wait3A_49, %dma_wait3A_50] : memref<10000x128xf32, #tpu.memory_space<hbm>> -> memref<10000x128xf32, #tpu.memory_space<hbm>>
      tpu.wait_indirect_dma semaphore(%arg10 : memref<!tpu.dma_semaphore, #tpu.memory_space<semaphore_mem>>) src(%dma_wait3A_51 : memref<10000x128xf32, #tpu.memory_space<hbm>>) dst(%arg8 : memref<128x128xf32, #tpu.memory_space<vmem>>)
      "tpu.region"() ({
        %run_scoped3A = tpu.sem_alloc : memref<!tpu.dma_semaphore, #tpu.memory_space<semaphore_mem>>
        %dma_start3A_53 = arith.constant 0 : i32
        %dma_start3A_54 = tpu.memref_slice %arg7[%scan3A_40, %dma_start3A_53] : memref<79x128xi32, #tpu.memory_space<vmem>> -> memref<1x128xi32, #tpu.memory_space<vmem>>
        %dma_start3A_55 = tpu.memref_squeeze %dma_start3A_54 : memref<1x128xi32, #tpu.memory_space<vmem>> -> memref<128xi32, #tpu.memory_space<vmem>>
        %dma_start3A_56 = arith.constant 0 : i32
        %dma_start3A_57 = arith.constant 0 : i32
        %dma_start3A_58 = tpu.memref_slice %arg9[%dma_start3A_56, %dma_start3A_57] : memref<10240x128xf32, #tpu.memory_space<vmem_shared>> -> memref<10240x128xf32, #tpu.memory_space<vmem_shared>>
        tpu.enqueue_indirect_dma source(%arg8 : memref<128x128xf32, #tpu.memory_space<vmem>>) target(%dma_start3A_58 : memref<10240x128xf32, #tpu.memory_space<vmem_shared>>) offsets(%dma_start3A_55 : memref<128xi32, #tpu.memory_space<vmem>>) semaphore(%run_scoped3A : memref<!tpu.dma_semaphore, #tpu.memory_space<semaphore_mem>>) {add = true}
        %dma_wait3A_59 = arith.constant 0 : i32
        %dma_wait3A_60 = tpu.memref_slice %arg7[%scan3A_40, %dma_wait3A_59] : memref<79x128xi32, #tpu.memory_space<vmem>> -> memref<1x128xi32, #tpu.memory_space<vmem>>
        %dma_wait3A_61 = tpu.memref_squeeze %dma_wait3A_60 : memref<1x128xi32, #tpu.memory_space<vmem>> -> memref<128xi32, #tpu.memory_space<vmem>>
        %dma_wait3A_62 = arith.constant 0 : i32
        %dma_wait3A_63 = arith.constant 0 : i32
        %dma_wait3A_64 = tpu.memref_slice %arg9[%dma_wait3A_62, %dma_wait3A_63] : memref<10240x128xf32, #tpu.memory_space<vmem_shared>> -> memref<10240x128xf32, #tpu.memory_space<vmem_shared>>
        tpu.wait_indirect_dma semaphore(%run_scoped3A : memref<!tpu.dma_semaphore, #tpu.memory_space<semaphore_mem>>) src(%arg8 : memref<128x128xf32, #tpu.memory_space<vmem>>) dst(%dma_wait3A_64 : memref<10240x128xf32, #tpu.memory_space<vmem_shared>>)
        tpu.yield
      }) : () -> ()
      %scan3A_52 = arith.constant 0 : i32
      scf.yield %scan3A_52 : i32
    }
    %scan3A_36 = arith.constant 79 : i32
    %barrier3A_37 = arith.constant 0 : index
    tpu.barrier barrier_id(%barrier3A_37)
    %mul3A_38 = arith.constant 640 : i32
    %mul3A_39 = arith.muli %arg1, %mul3A_38 : i32
    "tpu.region"() ({
      %run_scoped3A = tpu.sem_alloc : memref<!tpu.dma_semaphore, #tpu.memory_space<semaphore_mem>>
      %dma_start3A = arith.constant 0 : i32
      %dma_start3A_40 = tpu.memref_slice %arg5[%arg0, %mul3A_39, %dma_start3A] : memref<2x10240x128xf32, #tpu.memory_space<hbm>> -> memref<1x640x128xf32, #tpu.memory_space<hbm>>
      %dma_start3A_41 = tpu.memref_squeeze %dma_start3A_40 : memref<1x640x128xf32, #tpu.memory_space<hbm>> -> memref<640x128xf32, #tpu.memory_space<hbm>>
      %dma_start3A_42 = arith.constant 0 : i32
      %dma_start3A_43 = tpu.memref_slice %arg9[%mul3A_39, %dma_start3A_42] : memref<10240x128xf32, #tpu.memory_space<vmem_shared>> -> memref<640x128xf32, #tpu.memory_space<vmem_shared>>
      tpu.enqueue_dma source(%dma_start3A_43 : memref<640x128xf32, #tpu.memory_space<vmem_shared>>) target(%dma_start3A_41 : memref<640x128xf32, #tpu.memory_space<hbm>>) target_semaphore(%run_scoped3A : memref<!tpu.dma_semaphore, #tpu.memory_space<semaphore_mem>>)
      %dma_wait3A = arith.constant 0 : i32
      %dma_wait3A_44 = tpu.memref_slice %arg5[%arg0, %mul3A_39, %dma_wait3A] : memref<2x10240x128xf32, #tpu.memory_space<hbm>> -> memref<1x640x128xf32, #tpu.memory_space<hbm>>
      %dma_wait3A_45 = tpu.memref_squeeze %dma_wait3A_44 : memref<1x640x128xf32, #tpu.memory_space<hbm>> -> memref<640x128xf32, #tpu.memory_space<hbm>>
      %dma_wait3A_46 = arith.constant 0 : i32
      %dma_wait3A_47 = tpu.memref_slice %arg9[%mul3A_39, %dma_wait3A_46] : memref<10240x128xf32, #tpu.memory_space<vmem_shared>> -> memref<640x128xf32, #tpu.memory_space<vmem_shared>>
      tpu.wait_dma2 semaphore(%run_scoped3A : memref<!tpu.dma_semaphore, #tpu.memory_space<semaphore_mem>>) src(%dma_wait3A_47 : memref<640x128xf32, #tpu.memory_space<vmem_shared>>) dst(%dma_wait3A_45 : memref<640x128xf32, #tpu.memory_space<hbm>>)
      tpu.yield
    }) : () -> ()
    return
  }
}

module attributes {stable_mosaic.version = 14 : i64} {
  func.func @_tc_proj_body(%arg0: i32, %arg1: memref<2048x128xf32, #tpu.memory_space<vmem>>, %arg2: memref<128x128xf32, #tpu.memory_space<vmem>>, %arg3: memref<1x128xf32, #tpu.memory_space<vmem>>, %arg4: memref<128x128xf32, #tpu.memory_space<vmem>>, %arg5: memref<128x128xf32, #tpu.memory_space<vmem>>, %arg6: memref<1x128xf32, #tpu.memory_space<vmem>>, %arg7: memref<2048x128xf32, #tpu.memory_space<vmem>>, %arg8: memref<2048x128xf32, #tpu.memory_space<vmem>>) attributes {dimension_semantics = [#tpu.dimension_semantics<arbitrary>], iteration_bounds = array<i64: 5>, scalar_prefetch = 0 : i64, scratch_operands = 0 : i64, tpu.core_type = #tpu.core_type<tc>, window_params = [{transform_indices = @transform_0, window_bounds = array<i64: 2048, 128>}, {pipeline_mode = #tpu.pipeline_mode<synchronous>, transform_indices = @transform_1, window_bounds = array<i64: 128, 128>}, {pipeline_mode = #tpu.pipeline_mode<synchronous>, transform_indices = @transform_2, window_bounds = array<i64: 1, 128>}, {pipeline_mode = #tpu.pipeline_mode<synchronous>, transform_indices = @transform_3, window_bounds = array<i64: 128, 128>}, {pipeline_mode = #tpu.pipeline_mode<synchronous>, transform_indices = @transform_4, window_bounds = array<i64: 128, 128>}, {pipeline_mode = #tpu.pipeline_mode<synchronous>, transform_indices = @transform_5, window_bounds = array<i64: 1, 128>}, {transform_indices = @transform_6, window_bounds = array<i64: 2048, 128>}, {transform_indices = @transform_7, window_bounds = array<i64: 2048, 128>}]} {
    %get3A = arith.constant 0 : index
    %get3A_0 = arith.constant 0 : index
    %get3A_1 = vector.load %arg1[%get3A, %get3A_0] : memref<2048x128xf32, #tpu.memory_space<vmem>>, vector<2048x128xf32>
    %get3A_2 = arith.constant 0 : index
    %get3A_3 = arith.constant 0 : index
    %get3A_4 = vector.load %arg2[%get3A_2, %get3A_3] : memref<128x128xf32, #tpu.memory_space<vmem>>, vector<128x128xf32>
    %dot_general3A = arith.constant dense<0.000000e+00> : vector<2048x128xf32>
    %dot_general3A_5 = tpu.matmul %get3A_1, %get3A_4, %dot_general3A {dimension_numbers = #tpu.dot_dimension_numbers<[1], [1], [0], [0], [0, 0, 1, 0], [], []>, transpose_lhs_hint = false} : vector<2048x128xf32>, vector<128x128xf32>, vector<2048x128xf32> -> vector<2048x128xf32>
    %get3A_6 = arith.constant 0 : index
    %get3A_7 = arith.constant 0 : index
    %get3A_8 = vector.load %arg3[%get3A_6, %get3A_7] : memref<1x128xf32, #tpu.memory_space<vmem>>, vector<1x128xf32>
    %add3A = vector.broadcast %get3A_8 : vector<1x128xf32> to vector<2048x128xf32>
    %add3A_9 = arith.addf %dot_general3A_5, %add3A : vector<2048x128xf32>
    %get3A_10 = arith.constant 0 : index
    %get3A_11 = arith.constant 0 : index
    %get3A_12 = vector.load %arg4[%get3A_10, %get3A_11] : memref<128x128xf32, #tpu.memory_space<vmem>>, vector<128x128xf32>
    %dot_general3A_13 = arith.constant dense<0.000000e+00> : vector<2048x128xf32>
    %dot_general3A_14 = tpu.matmul %add3A_9, %get3A_12, %dot_general3A_13 {dimension_numbers = #tpu.dot_dimension_numbers<[1], [1], [0], [0], [0, 0, 1, 0], [], []>, transpose_lhs_hint = false} : vector<2048x128xf32>, vector<128x128xf32>, vector<2048x128xf32> -> vector<2048x128xf32>
    %swap3A = arith.constant 0 : index
    %swap3A_15 = arith.constant 0 : index
    %swap3A_16 = vector.load %arg7[%swap3A, %swap3A_15] : memref<2048x128xf32, #tpu.memory_space<vmem>>, vector<2048x128xf32>
    tpu.vector_store %arg7[%swap3A, %swap3A_15], %dot_general3A_14 {strides = array<i32>} : memref<2048x128xf32, #tpu.memory_space<vmem>>, vector<2048x128xf32>,
    %get3A_17 = arith.constant 0 : index
    %get3A_18 = arith.constant 0 : index
    %get3A_19 = vector.load %arg5[%get3A_17, %get3A_18] : memref<128x128xf32, #tpu.memory_space<vmem>>, vector<128x128xf32>
    %dot_general3A_20 = arith.constant dense<0.000000e+00> : vector<2048x128xf32>
    %dot_general3A_21 = tpu.matmul %add3A_9, %get3A_19, %dot_general3A_20 {dimension_numbers = #tpu.dot_dimension_numbers<[1], [1], [0], [0], [0, 0, 1, 0], [], []>, transpose_lhs_hint = false} : vector<2048x128xf32>, vector<128x128xf32>, vector<2048x128xf32> -> vector<2048x128xf32>
    %get3A_22 = arith.constant 0 : index
    %get3A_23 = arith.constant 0 : index
    %get3A_24 = vector.load %arg6[%get3A_22, %get3A_23] : memref<1x128xf32, #tpu.memory_space<vmem>>, vector<1x128xf32>
    %add3A_25 = vector.broadcast %get3A_24 : vector<1x128xf32> to vector<2048x128xf32>
    %add3A_26 = arith.addf %dot_general3A_21, %add3A_25 : vector<2048x128xf32>
    %swap3A_27 = arith.constant 0 : index
    %swap3A_28 = arith.constant 0 : index
    %swap3A_29 = vector.load %arg8[%swap3A_27, %swap3A_28] : memref<2048x128xf32, #tpu.memory_space<vmem>>, vector<2048x128xf32>
    tpu.vector_store %arg8[%swap3A_27, %swap3A_28], %add3A_26 {strides = array<i32>} : memref<2048x128xf32, #tpu.memory_space<vmem>>, vector<2048x128xf32>,
    return
  }
  func.func @transform_0(%arg0: i32) -> (i32, i32) {
    %c0_i32 = arith.constant 0 : i32
    %c0_i32_0 = arith.constant 0 : i32
    return %arg0, %c0_i32 : i32, i32
  }
  func.func @transform_1(%arg0: i32) -> (i32, i32) {
    %c0_i32 = arith.constant 0 : i32
    %c0_i32_0 = arith.constant 0 : i32
    %c0_i32_1 = arith.constant 0 : i32
    return %c0_i32, %c0_i32_0 : i32, i32
  }
  func.func @transform_2(%arg0: i32) -> (i32, i32) {
    %c0_i32 = arith.constant 0 : i32
    %c0_i32_0 = arith.constant 0 : i32
    %c0_i32_1 = arith.constant 0 : i32
    return %c0_i32, %c0_i32_0 : i32, i32
  }
  func.func @transform_3(%arg0: i32) -> (i32, i32) {
    %c0_i32 = arith.constant 0 : i32
    %c0_i32_0 = arith.constant 0 : i32
    %c0_i32_1 = arith.constant 0 : i32
    return %c0_i32, %c0_i32_0 : i32, i32
  }
  func.func @transform_4(%arg0: i32) -> (i32, i32) {
    %c0_i32 = arith.constant 0 : i32
    %c0_i32_0 = arith.constant 0 : i32
    %c0_i32_1 = arith.constant 0 : i32
    return %c0_i32, %c0_i32_0 : i32, i32
  }
  func.func @transform_5(%arg0: i32) -> (i32, i32) {
    %c0_i32 = arith.constant 0 : i32
    %c0_i32_0 = arith.constant 0 : i32
    %c0_i32_1 = arith.constant 0 : i32
    return %c0_i32, %c0_i32_0 : i32, i32
  }
  func.func @transform_6(%arg0: i32) -> (i32, i32) {
    %c0_i32 = arith.constant 0 : i32
    %c0_i32_0 = arith.constant 0 : i32
    return %arg0, %c0_i32 : i32, i32
  }
  func.func @transform_7(%arg0: i32) -> (i32, i32) {
    %c0_i32 = arith.constant 0 : i32
    %c0_i32_0 = arith.constant 0 : i32
    return %arg0, %c0_i32 : i32, i32
  }
}

module attributes {stable_mosaic.version = 14 : i64} {
  func.func @_tc_mid_body(%arg0: i32, %arg1: memref<2x2048x128xf32, #tpu.memory_space<vmem>>, %arg2: memref<2x2048xf32, #tpu.memory_space<vmem>>, %arg3: memref<2048x128xf32, #tpu.memory_space<vmem>>, %arg4: memref<128x128xf32, #tpu.memory_space<vmem>>, %arg5: memref<128x128xf32, #tpu.memory_space<vmem>>, %arg6: memref<1x128xf32, #tpu.memory_space<vmem>>, %arg7: memref<2048x128xf32, #tpu.memory_space<vmem>>, %arg8: memref<2048x128xf32, #tpu.memory_space<vmem>>) attributes {dimension_semantics = [#tpu.dimension_semantics<arbitrary>], iteration_bounds = array<i64: 5>, scalar_prefetch = 0 : i64, scratch_operands = 0 : i64, tpu.core_type = #tpu.core_type<tc>, window_params = [{transform_indices = @transform_0, window_bounds = array<i64: 2, 2048, 128>}, {transform_indices = @transform_1, window_bounds = array<i64: 2, 2048>}, {transform_indices = @transform_2, window_bounds = array<i64: 2048, 128>}, {pipeline_mode = #tpu.pipeline_mode<synchronous>, transform_indices = @transform_3, window_bounds = array<i64: 128, 128>}, {pipeline_mode = #tpu.pipeline_mode<synchronous>, transform_indices = @transform_4, window_bounds = array<i64: 128, 128>}, {pipeline_mode = #tpu.pipeline_mode<synchronous>, transform_indices = @transform_5, window_bounds = array<i64: 1, 128>}, {transform_indices = @transform_6, window_bounds = array<i64: 2048, 128>}, {transform_indices = @transform_7, window_bounds = array<i64: 2048, 128>}]} {
    %get3A = arith.constant 0 : index
    %get3A_0 = arith.constant 0 : index
    %get3A_1 = vector.load %arg2[%get3A, %get3A_0] : memref<2x2048xf32, #tpu.memory_space<vmem>>, vector<1x2048xf32>
    %get3A_2 = vector.shape_cast %get3A_1 : vector<1x2048xf32> to vector<2048xf32>
    %get3A_3 = arith.constant 1 : index
    %get3A_4 = arith.constant 0 : index
    %get3A_5 = vector.load %arg2[%get3A_3, %get3A_4] : memref<2x2048xf32, #tpu.memory_space<vmem>>, vector<1x2048xf32>
    %get3A_6 = vector.shape_cast %get3A_5 : vector<1x2048xf32> to vector<2048xf32>
    %add3A = arith.addf %get3A_2, %get3A_6 : vector<2048xf32>
    %reshape3A = vector.shape_cast %add3A : vector<2048xf32> to vector<2048x1xf32>
    %max3A = arith.constant 1.000000e+00 : f32
    %max3A_7 = vector.broadcast %max3A : f32 to vector<2048x1xf32>
    %max3A_8 = arith.maximumf %reshape3A, %max3A_7 : vector<2048x1xf32>
    %div3A = arith.constant 1.000000e+00 : f32
    %div3A_9 = vector.broadcast %div3A : f32 to vector<2048x1xf32>
    %div3A_10 = arith.divf %div3A_9, %max3A_8 : vector<2048x1xf32>
    %get3A_11 = arith.constant 0 : index
    %get3A_12 = arith.constant 0 : index
    %get3A_13 = arith.constant 0 : index
    %get3A_14 = vector.load %arg1[%get3A_11, %get3A_12, %get3A_13] : memref<2x2048x128xf32, #tpu.memory_space<vmem>>, vector<1x2048x128xf32>
    %get3A_15 = vector.shape_cast %get3A_14 : vector<1x2048x128xf32> to vector<2048x128xf32>
    %get3A_16 = arith.constant 1 : index
    %get3A_17 = arith.constant 0 : index
    %get3A_18 = arith.constant 0 : index
    %get3A_19 = vector.load %arg1[%get3A_16, %get3A_17, %get3A_18] : memref<2x2048x128xf32, #tpu.memory_space<vmem>>, vector<1x2048x128xf32>
    %get3A_20 = vector.shape_cast %get3A_19 : vector<1x2048x128xf32> to vector<2048x128xf32>
    %add3A_21 = arith.addf %get3A_15, %get3A_20 : vector<2048x128xf32>
    %mul3A = vector.broadcast %div3A_10 : vector<2048x1xf32> to vector<2048x128xf32>
    %mul3A_22 = arith.mulf %add3A_21, %mul3A : vector<2048x128xf32>
    %get3A_23 = arith.constant 0 : index
    %get3A_24 = arith.constant 0 : index
    %get3A_25 = vector.load %arg3[%get3A_23, %get3A_24] : memref<2048x128xf32, #tpu.memory_space<vmem>>, vector<2048x128xf32>
    %add3A_26 = arith.addf %mul3A_22, %get3A_25 : vector<2048x128xf32>
    %max3A_27 = arith.constant 0.000000e+00 : f32
    %max3A_28 = vector.broadcast %max3A_27 : f32 to vector<2048x128xf32>
    %max3A_29 = arith.maximumf %add3A_26, %max3A_28 : vector<2048x128xf32>
    %get3A_30 = arith.constant 0 : index
    %get3A_31 = arith.constant 0 : index
    %get3A_32 = vector.load %arg4[%get3A_30, %get3A_31] : memref<128x128xf32, #tpu.memory_space<vmem>>, vector<128x128xf32>
    %dot_general3A = arith.constant dense<0.000000e+00> : vector<2048x128xf32>
    %dot_general3A_33 = tpu.matmul %max3A_29, %get3A_32, %dot_general3A {dimension_numbers = #tpu.dot_dimension_numbers<[1], [1], [0], [0], [0, 0, 1, 0], [], []>, transpose_lhs_hint = false} : vector<2048x128xf32>, vector<128x128xf32>, vector<2048x128xf32> -> vector<2048x128xf32>
    %swap3A = arith.constant 0 : index
    %swap3A_34 = arith.constant 0 : index
    %swap3A_35 = vector.load %arg7[%swap3A, %swap3A_34] : memref<2048x128xf32, #tpu.memory_space<vmem>>, vector<2048x128xf32>
    tpu.vector_store %arg7[%swap3A, %swap3A_34], %dot_general3A_33 {strides = array<i32>} : memref<2048x128xf32, #tpu.memory_space<vmem>>, vector<2048x128xf32>,
    %get3A_36 = arith.constant 0 : index
    %get3A_37 = arith.constant 0 : index
    %get3A_38 = vector.load %arg5[%get3A_36, %get3A_37] : memref<128x128xf32, #tpu.memory_space<vmem>>, vector<128x128xf32>
    %dot_general3A_39 = arith.constant dense<0.000000e+00> : vector<2048x128xf32>
    %dot_general3A_40 = tpu.matmul %max3A_29, %get3A_38, %dot_general3A_39 {dimension_numbers = #tpu.dot_dimension_numbers<[1], [1], [0], [0], [0, 0, 1, 0], [], []>, transpose_lhs_hint = false} : vector<2048x128xf32>, vector<128x128xf32>, vector<2048x128xf32> -> vector<2048x128xf32>
    %get3A_41 = arith.constant 0 : index
    %get3A_42 = arith.constant 0 : index
    %get3A_43 = vector.load %arg6[%get3A_41, %get3A_42] : memref<1x128xf32, #tpu.memory_space<vmem>>, vector<1x128xf32>
    %add3A_44 = vector.broadcast %get3A_43 : vector<1x128xf32> to vector<2048x128xf32>
    %add3A_45 = arith.addf %dot_general3A_40, %add3A_44 : vector<2048x128xf32>
    %swap3A_46 = arith.constant 0 : index
    %swap3A_47 = arith.constant 0 : index
    %swap3A_48 = vector.load %arg8[%swap3A_46, %swap3A_47] : memref<2048x128xf32, #tpu.memory_space<vmem>>, vector<2048x128xf32>
    tpu.vector_store %arg8[%swap3A_46, %swap3A_47], %add3A_45 {strides = array<i32>} : memref<2048x128xf32, #tpu.memory_space<vmem>>, vector<2048x128xf32>,
    return
  }
  func.func @transform_0(%arg0: i32) -> (i32, i32, i32) {
    %c0_i32 = arith.constant 0 : i32
    %c0_i32_0 = arith.constant 0 : i32
    %c0_i32_1 = arith.constant 0 : i32
    return %c0_i32, %arg0, %c0_i32_0 : i32, i32, i32
  }
  func.func @transform_1(%arg0: i32) -> (i32, i32) {
    %c0_i32 = arith.constant 0 : i32
    %c0_i32_0 = arith.constant 0 : i32
    return %c0_i32, %arg0 : i32, i32
  }
  func.func @transform_2(%arg0: i32) -> (i32, i32) {
    %c0_i32 = arith.constant 0 : i32
    %c0_i32_0 = arith.constant 0 : i32
    return %arg0, %c0_i32 : i32, i32
  }
  func.func @transform_3(%arg0: i32) -> (i32, i32) {
    %c0_i32 = arith.constant 0 : i32
    %c0_i32_0 = arith.constant 0 : i32
    %c0_i32_1 = arith.constant 0 : i32
    return %c0_i32, %c0_i32_0 : i32, i32
  }
  func.func @transform_4(%arg0: i32) -> (i32, i32) {
    %c0_i32 = arith.constant 0 : i32
    %c0_i32_0 = arith.constant 0 : i32
    %c0_i32_1 = arith.constant 0 : i32
    return %c0_i32, %c0_i32_0 : i32, i32
  }
  func.func @transform_5(%arg0: i32) -> (i32, i32) {
    %c0_i32 = arith.constant 0 : i32
    %c0_i32_0 = arith.constant 0 : i32
    %c0_i32_1 = arith.constant 0 : i32
    return %c0_i32, %c0_i32_0 : i32, i32
  }
  func.func @transform_6(%arg0: i32) -> (i32, i32) {
    %c0_i32 = arith.constant 0 : i32
    %c0_i32_0 = arith.constant 0 : i32
    return %arg0, %c0_i32 : i32, i32
  }
  func.func @transform_7(%arg0: i32) -> (i32, i32) {
    %c0_i32 = arith.constant 0 : i32
    %c0_i32_0 = arith.constant 0 : i32
    return %arg0, %c0_i32 : i32, i32
  }
}

module attributes {stable_mosaic.version = 14 : i64} {
  func.func @_tc_out_body(%arg0: i32, %arg1: memref<2x2048x128xf32, #tpu.memory_space<vmem>>, %arg2: memref<2x2048xf32, #tpu.memory_space<vmem>>, %arg3: memref<2048x128xf32, #tpu.memory_space<vmem>>, %arg4: memref<2048x128xf32, #tpu.memory_space<vmem>>) attributes {dimension_semantics = [#tpu.dimension_semantics<arbitrary>], iteration_bounds = array<i64: 5>, scalar_prefetch = 0 : i64, scratch_operands = 0 : i64, tpu.core_type = #tpu.core_type<tc>, window_params = [{transform_indices = @transform_0, window_bounds = array<i64: 2, 2048, 128>}, {transform_indices = @transform_1, window_bounds = array<i64: 2, 2048>}, {transform_indices = @transform_2, window_bounds = array<i64: 2048, 128>}, {transform_indices = @transform_3, window_bounds = array<i64: 2048, 128>}]} {
    %get3A = arith.constant 0 : index
    %get3A_0 = arith.constant 0 : index
    %get3A_1 = vector.load %arg2[%get3A, %get3A_0] : memref<2x2048xf32, #tpu.memory_space<vmem>>, vector<1x2048xf32>
    %get3A_2 = vector.shape_cast %get3A_1 : vector<1x2048xf32> to vector<2048xf32>
    %get3A_3 = arith.constant 1 : index
    %get3A_4 = arith.constant 0 : index
    %get3A_5 = vector.load %arg2[%get3A_3, %get3A_4] : memref<2x2048xf32, #tpu.memory_space<vmem>>, vector<1x2048xf32>
    %get3A_6 = vector.shape_cast %get3A_5 : vector<1x2048xf32> to vector<2048xf32>
    %add3A = arith.addf %get3A_2, %get3A_6 : vector<2048xf32>
    %reshape3A = vector.shape_cast %add3A : vector<2048xf32> to vector<2048x1xf32>
    %max3A = arith.constant 1.000000e+00 : f32
    %max3A_7 = vector.broadcast %max3A : f32 to vector<2048x1xf32>
    %max3A_8 = arith.maximumf %reshape3A, %max3A_7 : vector<2048x1xf32>
    %div3A = arith.constant 1.000000e+00 : f32
    %div3A_9 = vector.broadcast %div3A : f32 to vector<2048x1xf32>
    %div3A_10 = arith.divf %div3A_9, %max3A_8 : vector<2048x1xf32>
    %get3A_11 = arith.constant 0 : index
    %get3A_12 = arith.constant 0 : index
    %get3A_13 = arith.constant 0 : index
    %get3A_14 = vector.load %arg1[%get3A_11, %get3A_12, %get3A_13] : memref<2x2048x128xf32, #tpu.memory_space<vmem>>, vector<1x2048x128xf32>
    %get3A_15 = vector.shape_cast %get3A_14 : vector<1x2048x128xf32> to vector<2048x128xf32>
    %get3A_16 = arith.constant 1 : index
    %get3A_17 = arith.constant 0 : index
    %get3A_18 = arith.constant 0 : index
    %get3A_19 = vector.load %arg1[%get3A_16, %get3A_17, %get3A_18] : memref<2x2048x128xf32, #tpu.memory_space<vmem>>, vector<1x2048x128xf32>
    %get3A_20 = vector.shape_cast %get3A_19 : vector<1x2048x128xf32> to vector<2048x128xf32>
    %add3A_21 = arith.addf %get3A_15, %get3A_20 : vector<2048x128xf32>
    %mul3A = vector.broadcast %div3A_10 : vector<2048x1xf32> to vector<2048x128xf32>
    %mul3A_22 = arith.mulf %add3A_21, %mul3A : vector<2048x128xf32>
    %get3A_23 = arith.constant 0 : index
    %get3A_24 = arith.constant 0 : index
    %get3A_25 = vector.load %arg3[%get3A_23, %get3A_24] : memref<2048x128xf32, #tpu.memory_space<vmem>>, vector<2048x128xf32>
    %add3A_26 = arith.addf %mul3A_22, %get3A_25 : vector<2048x128xf32>
    %max3A_27 = arith.constant 0.000000e+00 : f32
    %max3A_28 = vector.broadcast %max3A_27 : f32 to vector<2048x128xf32>
    %max3A_29 = arith.maximumf %add3A_26, %max3A_28 : vector<2048x128xf32>
    %swap3A = arith.constant 0 : index
    %swap3A_30 = arith.constant 0 : index
    %swap3A_31 = vector.load %arg4[%swap3A, %swap3A_30] : memref<2048x128xf32, #tpu.memory_space<vmem>>, vector<2048x128xf32>
    tpu.vector_store %arg4[%swap3A, %swap3A_30], %max3A_29 {strides = array<i32>} : memref<2048x128xf32, #tpu.memory_space<vmem>>, vector<2048x128xf32>,
    return
  }
  func.func @transform_0(%arg0: i32) -> (i32, i32, i32) {
    %c0_i32 = arith.constant 0 : i32
    %c0_i32_0 = arith.constant 0 : i32
    %c0_i32_1 = arith.constant 0 : i32
    return %c0_i32, %arg0, %c0_i32_0 : i32, i32, i32
  }
  func.func @transform_1(%arg0: i32) -> (i32, i32) {
    %c0_i32 = arith.constant 0 : i32
    %c0_i32_0 = arith.constant 0 : i32
    return %c0_i32, %arg0 : i32, i32
  }
  func.func @transform_2(%arg0: i32) -> (i32, i32) {
    %c0_i32 = arith.constant 0 : i32
    %c0_i32_0 = arith.constant 0 : i32
    return %arg0, %c0_i32 : i32, i32
  }
  func.func @transform_3(%arg0: i32) -> (i32, i32) {
    %c0_i32 = arith.constant 0 : i32
    %c0_i32_0 = arith.constant 0 : i32
    return %arg0, %c0_i32 : i32, i32
  }
}

</mosaic_0001>

<sc_bundles>
// kernel: sc_agg.3.cloned.1.call-start
scs
__scs_entry_jumppad:
0x0: {  	(pc) =	sbr.rel $0x88, $3  }
0x1: {  	(tag) =	ssettag $0x0;
	lr =	simm.s32 $0x1  }
0x2: {  	[smem:$0x3F97] =	sst lr;
	_ =	strace $0xD0000000  }
0x3: {  	_ = 	snop  }
0x4: {  	_ = 	snop  }
0x5: {  	_ = 	snop  }
0x6: {  	_ = 	snop  }
0x7: {  	_ = 	snop  }
__scs_overlays_trampoline_lowered:
0x8: {  	[smem:$0x3FA6] =	sst s0  }
0x9: {  	[smem:$0x3FA7] =	sst s1  }
0xa: {  	[smem:$0x3FA8] =	sst s2  }
0xb: {  	[smem:$0x3FA9] =	sst s3  }
0xc: {  	[smem:$0x3FAA] =	sst s4  }
0xd: {  	[smem:$0x3FAB] =	sst s5  }
0xe: {  	[smem:$0x3FAC] =	sst s6  }
0xf: {  	[smem:$0x3FAD] =	sst s7  }
0x10: {  	[smem:$0x3FAE] =	sst s8  }
0x11: {  	[smem:$0x3FAF] =	sst s9;
	s0 =	simm.s32 @!p0 $0x0  }
0x12: {  	s1 =	sld [smem:$0x3F95];
	s0 =	simm.s32 @p0 $0x1  }
0x13: {  	[smem:$0x3FB0] =	sst s0;
	s0 =	simm.s32 @!p1 $0x0  }
0x14: {  	s2 =	sld [smem:$0x3F94];
	s0 =	simm.s32 @p1 $0x1  }
0x15: {  	[smem:$0x3FB1] =	sst s0;
	s0 =	simm.s32 @!p2 $0x0  }
0x16: {  	s3 =	sld [smem:$0x3FDB];
	s0 =	simm.s32 @p2 $0x1  }
0x17: {  	s4 =	simm.s32 $0x1BF5;
	[smem:$0x3FB3] =	sst s0  }
0x18: {  	s0 =	sld [smem:$0x3F96];
	_ =	swait.ge [sflag:s4], $0x0  }
0x19: {  	s7 =	sld [smem:$0x3F97]  }
0x1a: {  	s8 =	sadd.s32 $0xFFFFE003, lr  }
0x1b: {  	s9 =	sadd.s32 $0xFFFFFEF7, lr;
	s5 =	simm.s32 $0xFFFFFFFF;
	p2 =	slt.u32 s8, $0xFFFFF086  }
0x1c: {  	p1 =	slt.u32 s9, $0xF7A;
	s5 =	simm.s32 @!p2 $0x0  }
0x1d: {  	s5 =	simm.s32 @p1 $0x1;
	p0 =	seq.s32 s7, s2  }
0x1e: {  	s7 =	smul.u32 @!p0 $0xF7A, s2;
	p2 =	seq.s32 @!p0 s5, $0x0  }
0x1f: {  	s9 =	smul.u32 $0xF7A, s1;
	s8 =	simm.s32 @!p0 $0x1BF5;
	p2 =	por !p2, p0  }
0x20: {  	[sflag:s8] =	ssyncset.s32 @!p0 $0xFFFFF086;
	s6 =	sadd.s32 @!p0 s3, s7;
	s7 =	simm.s32 @!p0 $0x108  }
0x21: {  	s3 =	sadd.s32 s3, s9;
	s6 =	sadd.s32 @!p0 $0x88, s6;
	s7 =	simm.s32 @p2 $0x1082  }
0x22: {  	[simem:s7], [sflag:s8] =	dma.local @!p0 [hbm:s6], $0xF7A  }
0x23: {  	s9 =	sor.u32 $0xD0000000, s2;
	s6 =	simm.s32 $0x108;
	_ =	swait.ge @!p0 [sflag:s8], $0x0  }
0x24: {  	s3 =	sadd.s32 $0x88, s3;
	s6 =	simm.s32 @!p1 $0x1082;
	[sflag:s4] =	ssyncset.s32 $0xFFFFF086  }
0x25: {  	[simem:s6], [sflag:s4] =	dma.local [hbm:s3], $0xF7A  }
0x26: {  	[smem:$0x3F97] =	sst s1;
	(tag) =	ssettag s2;
	_ =	strace s9  }
0x27: {  	s1 =	sld [smem:$0x3FA7]  }
0x28: {  	s2 =	sld [smem:$0x3FA8]  }
0x29: {  	s4 =	sld [smem:$0x3FAA]  }
0x2a: {  	p0 =	seq.s32 s5, $0x0;
	s5 =	sld [smem:$0x3FAB]  }
0x2b: {  	s6 =	sld [smem:$0x3FAC]  }
0x2c: {  	s7 =	sld [smem:$0x3FAD]  }
0x2d: {  	s3 =	simm.s32 $0x108;
	s8 =	sld [smem:$0x3FAE]  }
0x2e: {  	s3 =	simm.s32 @!p0 $0x1082;
	s9 =	sld [smem:$0x3FAF]  }
0x2f: {  	lr =	sadd.s32 s0, s3;
	s0 =	sld [smem:$0x3FA6]  }
0x30: {  	s3 =	sld [smem:$0x3FA9]  }
0x31: {  	[smem:$0x3FB2] =	sst s10  }
0x32: {  	s10 =	sld [smem:$0x3FB0];
	_ =	sdelay $0x3  }
0x33: {  	p0 =	seq.s32 s10, $0x1;
	s10 =	sld [smem:$0x3FB2];
	_ =	sdelay $0x3  }
0x34: {  	[smem:$0x3FB2] =	sst s10  }
0x35: {  	s10 =	sld [smem:$0x3FB1];
	_ =	sdelay $0x3  }
0x36: {  	p1 =	seq.s32 s10, $0x1;
	s10 =	sld [smem:$0x3FB2];
	_ =	sdelay $0x3  }
0x37: {  	[smem:$0x3FB2] =	sst s10  }
0x38: {  	s10 =	sld [smem:$0x3FB3]  }
0x39: {  	_ = 	snop;
	(pc) =	sbr.ind lr, $3  }
0x3a: {  	_ = 	snop  }
0x3b: {  	_ = 	snop  }
0x3c: {  	p2 =	seq.s32 s10, $0x1;
	s10 =	sld [smem:$0x3FB2]  }
0x3d: {  	_ =	shalt  }
0x3e: {  	_ =	shalt  }
0x3f: {  	_ =	shalt  }
0x40: {  	_ =	shalt  }
0x41: {  	_ =	shalt  }
0x42: {  	_ =	shalt  }
0x43: {  	_ =	shalt  }
0x44: {  	_ =	shalt  }
0x45: {  	_ =	shalt  }
0x46: {  	_ =	shalt  }
0x47: {  	_ =	shalt  }
0x48: {  	_ =	shalt  }
0x49: {  	_ =	shalt  }
0x4a: {  	_ =	shalt  }
0x4b: {  	_ =	shalt  }
0x4c: {  	_ =	shalt  }
0x4d: {  	_ =	shalt  }
0x4e: {  	_ =	shalt  }
0x4f: {  	_ =	shalt  }
0x50: {  	_ =	shalt  }
0x51: {  	_ =	shalt  }
0x52: {  	_ =	shalt  }
0x53: {  	_ =	shalt  }
0x54: {  	_ =	shalt  }
0x55: {  	_ =	shalt  }
0x56: {  	_ =	shalt  }
0x57: {  	_ =	shalt  }
0x58: {  	_ =	shalt  }
0x59: {  	_ =	shalt  }
0x5a: {  	_ =	shalt  }
0x5b: {  	_ =	shalt  }
0x5c: {  	_ =	shalt  }
0x5d: {  	_ =	shalt  }
0x5e: {  	_ =	shalt  }
0x5f: {  	_ =	shalt  }
0x60: {  	_ =	shalt  }
0x61: {  	_ =	shalt  }
0x62: {  	_ =	shalt  }
0x63: {  	_ =	shalt  }
0x64: {  	_ =	shalt  }
0x65: {  	_ =	shalt  }
0x66: {  	_ =	shalt  }
0x67: {  	_ =	shalt  }
0x68: {  	_ =	shalt  }
0x69: {  	_ =	shalt  }
0x6a: {  	_ =	shalt  }
0x6b: {  	_ =	shalt  }
0x6c: {  	_ =	shalt  }
0x6d: {  	_ =	shalt  }
0x6e: {  	_ =	shalt  }
0x6f: {  	_ =	shalt  }
0x70: {  	_ =	shalt  }
0x71: {  	_ =	shalt  }
0x72: {  	_ =	shalt  }
0x73: {  	_ =	shalt  }
0x74: {  	_ =	shalt  }
0x75: {  	_ =	shalt  }
0x76: {  	_ =	shalt  }
0x77: {  	_ =	shalt  }
0x78: {  	_ =	shalt  }
0x79: {  	_ =	shalt  }
0x7a: {  	_ =	shalt  }
0x7b: {  	_ =	shalt  }
0x7c: {  	_ =	shalt  }
0x7d: {  	_ =	shalt  }
0x7e: {  	_ =	shalt  }
0x7f: {  	_ =	shalt  }
0x80: {  	_ =	shalt  }
0x81: {  	_ =	shalt  }
0x82: {  	_ =	shalt  }
0x83: {  	_ =	shalt  }
0x84: {  	_ =	shalt  }
0x85: {  	_ =	shalt  }
0x86: {  	_ =	shalt  }
0x87: {  	_ =	shalt  }
.Lfunc_end0:
.L_simem_size_0:
called_computation.1_lowered:
.L_overlay_start_0:
0x88: {  	s2 =	sld [smem:$0x3FD9]  }
0x89: {  	s3 =	sld [smem:$0x3FFE];
	_ =	sdelay $0x1  }
0x8a: {  	s1 =	srdreg.scid  }
0x8b: {  	s0 =	sand.u32 $0x1, s1  }
0x8c: {  	s17 =	sshll.u32 s0, $0xA;
	s2 =	sadd.s32 s3, s2  }
0x8d: {  	s2 =	sadd.s32 s2, s17  }
0x8e: {  	[smem:$0x3FBE] =	sst s2  }
0x8f: {  	_ = 	snop  }
0x90: {  	s2 =	sld [smem:$0x3FD0];
	(tm) =	ssettm $0x1  }
0x91: {  	s18 =	sld [smem:$0x3FFB];
	_ =	sdelay $0x3  }
0x92: {  	_ =	strace s18  }
0x93: {  	s3 =	sld [smem:$0x3FFC];
	_ =	sdelay $0x3  }
0x94: {  	_ =	strace s3  }
0x95: {  	s3 =	sld [smem:$0x3FFD];
	_ =	sdelay $0x3  }
0x96: {  	_ =	strace s3  }
0x97: {  	_ =	strace $0x8FFFFFFF  }
0x98: {  	s19 =	sld [smem:$0x3FDB];
	_ =	sdelay $0x1  }
0x99: {  	s4 =	simm.s32 $_scs_section_size  }
0x9a: {  	s5 =	simm.s32 $_size__tile_overlayer_lowered;
	s6 =	simm.s32 $_tile_overlayer_lowered  }
0x9b: {  	s22 =	simm.s32 $0x1BFF;
	s21 =	sshll.u32 s6, $0x1;
	s3 =	sadd.s32 s4, s19  }
0x9c: {  	s7 =	simm.s32 $0x0;
	s20 =	sshll.u32 s5, $0x1;
	s5 =	sadd.s32 s21, s3  }
0x9d: {  	[timem:s7], [sflag:s22] =	dma.local [hbm:s5], s20  }
0x9e: {  	_ =	swait.ge [sflag:s22], s20  }
0x9f: {  	s4 =	ssub.s32 $0x0, s20;
	[sflag:s22] =	ssyncset.done $0x0  }
0xa0: {  	[sflag:s22] =	ssyncadd.s32 s4;
	_ =	sdelay $0x1  }
0xa1: {  	s23 =	simm.s32 $0x1B8B  }
0xa2: {  	_ =	swait.ge [sflag:s23], $0x1  }
0xa3: {  	[sflag:s23] =	ssyncset.done $0x0  }
0xa4: {  	s25 =	simm.s32 $0x1B8E;
	s24 =	sld [smem:$0x3FFE];
	[sflag:s23] =	ssyncadd.s32 $0xFFFFFFFF  }
0xa5: {  	s26 =	simm.s32 $execute0_lowered;
	[smem:$0x3FD2] =	sst s25  }
0xa6: {  	s5 =	sshll.u32 s26, $0x1;
	_ =	strace $0x80000049;
	[dreg:$0x1] =	wrdreg $0xFFFFFFFF  }
0xa7: {  	s28 =	simm.s32 $_size_execute0_lowered;
	s3 =	sadd.s32 s3, s5;
	[dreg:$0x0] =	wrdreg $0x0  }
0xa8: {  	s5 =	sshll.u32 s28, $0x1;
	[dreg:$0x2] =	wrdreg s3  }
0xa9: {  	[dreg:$0x3] =	wrdreg s5  }
0xaa: {  	[dreg:$0x4] =	wrdreg $0xC0  }
0xab: {  	_ =	task [dreg:s7], $0x5FFFF  }
0xac: {  	[dreg:$0x1] =	wrdreg $0xFFFFFFFF  }
0xad: {  	[dreg:$0x0] =	wrdreg $0x60  }
0xae: {  	[dreg:$0x2] =	wrdreg s2  }
0xaf: {  	[dreg:$0x3] =	wrdreg s24  }
0xb0: {  	[dreg:$0x4] =	wrdreg $0x90000  }
0xb1: {  	[dreg:$0x5] =	wrdreg $0x9  }
0xb2: {  	_ =	task.clear_ibuf [dreg:s7], $0x6FFFF;
	_ =	strace $0x90000049  }
0xb3: {  	s29 =	simm.s32 $0x9;
	_ =	strace $0x8000004B  }
0xb4: {  	_ =	swait.ge [sflag:s29], $0x1  }
0xb5: {  	[sflag:s29] =	ssyncadd.s32 $0xFFFFFFFF  }
0xb6: {  	_ =	strace $0x9000004B  }
0xb7: {  	_ =	sfence  }
0xb8: {  	s30 =	sld [smem:$0x0];
	_ =	sdelay $0x2  }
0xb9: {  	s31 =	sshll.u32 s1, $0xD;
	s1 =	sshrl.u32 s1, $0x2  }
0xba: {  	s3 =	sand.u32 $0x4000, s31;
	s1 =	sadd.s32 s1, s30  }
0xbb: {  	s0 =	sor.u32 s3, s0;
	s1 =	sshll.u32 s1, $0x11  }
0xbc: {  	s0 =	sor.u32 s1, s0  }
0xbd: {  	s0 =	sadd.s32 $0x8F2B, s0  }
0xbe: {  	[sflag:s0] =	ssyncadd.remote.s32 $0x1  }
0xbf: {  	_ =	sfence.sel $0xFFFF  }
0xc0: {  	[dreg:$0x0] =	wrdreg $0xFFFFFFFF;
	(pc) =	sbr.abs _section_cstart, $3  }
0xc1: {  	[dreg:$0x1] =	wrdreg $0xFFFFFFFF  }
0xc2: {  	_ =	task.clear_ibuf [dreg:s7], $0x2FFFF;
	_ =	strace $0x9FFFFFFF  }
0xc3: {  	(tm) =	ssettm $0x7FFFFFFF  }
tec
execute0_lowered:
.L_overlay_start_1:
0x0: {  	(tag) =	ssettag $0x1  }
0x1: {  	s1 =	rddreg [dreg:$0x0]  }
0x2: {  	s5 =	rddreg [dreg:$0x1]  }
0x3: {  	s2 =	rddreg [dreg:$0x2]  }
0x4: {  	s3 =	srdreg.scid;
	s0 =	rddreg [dreg:$0x3];
	s4 =	simm.s32 $0x0  }
0x5: {  	s14 =	simm.s32 $0x2;
	s15 =	simm.s32 $0x2800;
	s16 =	simm.s32 $0x5000  }
0x6: {  	s17 =	simm.s32 $0x80;
	s18 =	simm.s32 $0x1;
	s6 =	sand.u32 $0x1, s3  }
0x7: {  	s21 =	simm.s32 $0x0;
	s3 =	stileid.u32;
	s8 =	smul.u32 $0x140000, s6  }
0x8: {  	[smem:$0x7FF] =	sst s4;
	s7 =	sshll.u32 s6, $0x4;
	s9 =	smul.u32 $0x14000, s3  }
0x9: {  	_ =	strace $0x8000004A;
	s6 =	ssub.s32 $0x2, s6;
	s30 =	smul.u32 $0x50000, s3  }
0xa: {  	s19 =	sshll.u32 s3, $0x6;
	s7 =	sor.u32 s3, s7;
	s10 =	sshrl.u32 s6, $0x1  }
0xb: {  	s19 =	sor.u32 $0x1C02, s19;
	s7 =	smul.u32 $0x500, s7;
	s8 =	sadd.s32 s9, s8  }
0xc: {  	s13 =	ssub.s32 s6, s10;
	s31 =	sshrl.u32 s30, $0x2;
	s8 =	sshrl.u32 s8, $0x3  }
0xd: {  	s13 =	smax.u32 s13, $0x1;
	s7 =	sadd.s32 s7, s5;
	s12 =	sadd.s32 s8, s5  }
0xe: {  	s5 =	sadd.s32 $0xC800, s7;
	s6 =	sadd.s32 $0x2800, s7;
	s7 =	sadd.s32 s31, s2  }
0xf: {  	s12 =	sadd.s32 $0x16800, s12;
	s8 =	sadd.s32 $0x4000, s7;
	s9 =	sadd.s32 $0x8000, s7  }
0x10: {  	v0 =	vimm.f32 $0.0e+00;
	s10 =	sadd.s32 $0xC000, s7;
	s11 =	sadd.s32 $0x10000, s7;
	s20 =	sshrl.u32 s7, $0x3  }
.LBB2_1:
0x11: {  	[tilespmem:s4], [sflag:$0x2] =	stream.linear.gather [hbm4b:s5+s4], $0x2780, $0x38;
	[tilespmem:$0x1D000] =	vst v63  }
0x12: {  	_ =	swait.ge [sflag:s14], $0x2780  }
0x13: {  	[sflag:s14] =	ssyncset.done $0x0  }
0x14: {  	[sflag:s14] =	ssyncadd.s32 $0xFFFFD880  }
0x15: {  	[tilespmem:s15], [sflag:$0x2] =	stream.linear.gather [hbm4b:s6+s4], $0x2780, $0x38;
	[tilespmem:$0x1D000] =	vst v63  }
0x16: {  	_ =	swait.ge [sflag:s14], $0x2780  }
0x17: {  	[sflag:s14] =	ssyncset.done $0x0  }
0x18: {  	s22 =	simm.s32 $0x0;
	s23 =	simm.s32 $0x200;
	[sflag:s14] =	ssyncadd.s32 $0xFFFFD880  }
.LBB2_2:
0x19: {  	p0 =	sne.s32 s23, $0xFE00;
	[tilespmem:s22+$0x5070] =	vst v0  }
0x1a: {  	[tilespmem:s22+$0x5000] =	vst v0  }
0x1b: {  	[tilespmem:s22+$0x5010] =	vst v0  }
.Ltmp0:
0x1c: {  	[tilespmem:s22+$0x5020] =	vst v0;
	(pc) =	sbr.rel @p0 .LBB2_2-.Ltmp0, $4  }
0x1d: {  	[tilespmem:s22+$0x5030] =	vst v0  }
0x1e: {  	[tilespmem:s22+$0x5040] =	vst v0  }
0x1f: {  	[tilespmem:s22+$0x5050] =	vst v0  }
0x20: {  	[tilespmem:s22+$0x5060] =	vst v0;
	s22 =	sshra.s32 s23, $0x2;
	s23 =	sadd.s32 $0x200, s23  }
0x21: {  	[tilespmem:s22+$0x5070] =	vst v0  }
0x22: {  	[tilespmem:s22+$0x5000] =	vst v0  }
0x23: {  	[tilespmem:s22+$0x5010] =	vst v0  }
0x24: {  	[tilespmem:s22+$0x5020] =	vst v0  }
0x25: {  	[tilespmem:s22+$0x5030] =	vst v0  }
0x26: {  	[tilespmem:s22+$0x5040] =	vst v0  }
0x27: {  	[tilespmem:s22+$0x5050] =	vst v0  }
0x28: {  	[tilespmem:s22+$0x5060] =	vst v0  }
0x29: {  	[spmem:s7] =	stream.linear.scatter [tilespmem:s16], [sflag:$0x2], $0x4000, $0x38;
	[tilespmem:$0x1D000] =	vst v63  }
0x2a: {  	_ =	swait.ge [sflag:s14], $0x4000  }
0x2b: {  	[sflag:s14] =	ssyncset.done $0x0  }
0x2c: {  	[sflag:s14] =	ssyncadd.s32 $0xFFFFC000  }
0x2d: {  	[spmem:s8] =	stream.linear.scatter [tilespmem:s16], [sflag:$0x2], $0x4000, $0x38;
	[tilespmem:$0x1D000] =	vst v63  }
0x2e: {  	_ =	swait.ge [sflag:s14], $0x4000  }
0x2f: {  	[sflag:s14] =	ssyncset.done $0x0  }
0x30: {  	[sflag:s14] =	ssyncadd.s32 $0xFFFFC000  }
0x31: {  	[spmem:s9] =	stream.linear.scatter [tilespmem:s16], [sflag:$0x2], $0x4000, $0x38;
	[tilespmem:$0x1D000] =	vst v63  }
0x32: {  	_ =	swait.ge [sflag:s14], $0x4000  }
0x33: {  	[sflag:s14] =	ssyncset.done $0x0  }
0x34: {  	[sflag:s14] =	ssyncadd.s32 $0xFFFFC000  }
0x35: {  	[spmem:s10] =	stream.linear.scatter [tilespmem:s16], [sflag:$0x2], $0x4000, $0x38;
	[tilespmem:$0x1D000] =	vst v63  }
0x36: {  	_ =	swait.ge [sflag:s14], $0x4000  }
0x37: {  	[sflag:s14] =	ssyncset.done $0x0  }
0x38: {  	[sflag:s14] =	ssyncadd.s32 $0xFFFFC000  }
0x39: {  	[spmem:s11] =	stream.linear.scatter [tilespmem:s16], [sflag:$0x2], $0x4000, $0x38;
	[tilespmem:$0x1D000] =	vst v63  }
0x3a: {  	_ =	swait.ge [sflag:s14], $0x4000  }
0x3b: {  	[sflag:s14] =	ssyncset.done $0x0  }
0x3c: {  	[sflag:s14] =	ssyncadd.s32 $0xFFFFC000  }
0x3d: {  	s30 =	simm.s32 $0x0;
	[bflag:$0x0] =	sbarrier.arrive $0xFFFF  }
0x3e: {  	[tilespmem:s16], [sflag:$0x1] =	stream.indirect.gather [hbm4b:s1+s17], $0x80, s30, s17, $0xb8;
	[tilespmem:$0x1D000] =	vst v63  }
0x3f: {  	_ =	swait.ge [sflag:s18], $0x4000  }
0x40: {  	[sflag:s18] =	ssyncset.done $0x0  }
0x41: {  	s31 =	simm.s32 $0x2800;
	[sflag:s18] =	ssyncadd.s32 $0xFFFFC000  }
0x42: {  	[spmem:s2] =	stream.indirect.scatter.add.f32 [tilespmem:s16], [sflag:$0x2], $0x80, s31, s17, $0xb8;
	[tilespmem:$0x1D000] =	vst v63  }
0x43: {  	_ =	swait.ge [sflag:s14], $0x4000  }
0x44: {  	s22 =	simm.s32 $0x200;
	s23 =	simm.s32 $0x400;
	[sflag:s14] =	ssyncset.done $0x0  }
.LBB2_4:
0x45: {  	s24 =	sshra.s32 s22, $0x2  }
0x46: {  	[sflag:s14] =	ssyncadd.s32 $0xFFFFC000;
	s22 =	smov.u32 s23;
	s25 =	sadd.s32 $0x200, s23  }
0x47: {  	[tilespmem:s16], [sflag:$0x1] =	stream.indirect.gather [hbm4b:s1+s17], $0x80, s24, s17, $0xb8;
	[tilespmem:$0x1D000] =	vst v63  }
0x48: {  	p0 =	sne.s32 s23, $0x9C00;
	_ =	swait.ge [sflag:s18], $0x4000  }
.Ltmp1:
0x49: {  	[sflag:s18] =	ssyncset.done $0x0;
	(pc) =	sbr.rel @p0 .LBB2_4-.Ltmp1, $4  }
0x4a: {  	s23 =	sadd.s32 $0x2800, s24;
	[sflag:s18] =	ssyncadd.s32 $0xFFFFC000  }
0x4b: {  	[spmem:s2] =	stream.indirect.scatter.add.f32 [tilespmem:s16], [sflag:$0x2], $0x80, s23, s17, $0xb8;
	[tilespmem:$0x1D000] =	vst v63  }
0x4c: {  	_ =	swait.ge [sflag:s14], $0x4000  }
0x4d: {  	s23 =	smov.u32 s25;
	[sflag:s14] =	ssyncset.done $0x0  }
0x4e: {  	s22 =	sshra.s32 s22, $0x2;
	[sflag:s14] =	ssyncadd.s32 $0xFFFFC000  }
0x4f: {  	[tilespmem:s16], [sflag:$0x1] =	stream.indirect.gather [hbm4b:s1+s17], $0x80, s22, s17, $0xb8;
	[tilespmem:$0x1D000] =	vst v63  }
0x50: {  	_ =	swait.ge [sflag:s18], $0x4000  }
0x51: {  	[sflag:s18] =	ssyncset.done $0x0  }
0x52: {  	s22 =	sadd.s32 $0x2800, s22;
	[sflag:s18] =	ssyncadd.s32 $0xFFFFC000  }
0x53: {  	[spmem:s2] =	stream.indirect.scatter.add.f32 [tilespmem:s16], [sflag:$0x2], $0x80, s22, s17, $0xb8;
	[tilespmem:$0x1D000] =	vst v63  }
0x54: {  	_ =	swait.ge [sflag:s14], $0x4000  }
0x55: {  	s21 =	sadd.s32 $0x1, s21;
	[sflag:s14] =	ssyncset.done $0x0  }
0x56: {  	p0 =	sne.s32 s21, s13;
	[sflag:s14] =	ssyncadd.s32 $0xFFFFC000  }
.Ltmp2:
0x57: {  	[bflag:$0x0] =	sbarrier.arrive $0xFFFF;
	(pc) =	sbr.rel @p0 .LBB2_1-.Ltmp2, $4  }
0x58: {  	[hbm:s12], [sflag:s19] =	dma.local [spmem:s20], $0x2800  }
0x59: {  	_ =	swait.ge [sflag:s14], $0x2800  }
0x5a: {  	[sflag:s14] =	ssyncset.done $0x0  }
0x5b: {  	[sflag:s14] =	ssyncadd.s32 $0xFFFFD800  }
0x5c: {  	_ =	sfence.sel $0x180000  }
0x5d: {  	[bflag:$0x0] =	sbarrier.arrive $0xFFFF  }
0x5e: {  	p0 =	sne.s32 s3, $0x0;
	_ =	strace $0x9000004A  }
0x5f: {  	s0 =	sadd.s32 @!p0 $0x100000, s0;
	[bflag:$0x2] =	sbarrier.arrive $0xFFFF  }
0x60: {  	[sflag:s0] =	ssyncadd.tile.s32 @!p0 $0x1;
	_ =	shalt  }
.Lfunc_end2:
_tile_overlayer_lowered:
.L_overlay_start_2:
0x61: {  	(tag) =	ssettag $0x2  }
0x62: {  	s0 =	rddreg [dreg:$0x0];
	s2 =	stileid.u32  }
0x63: {  	s1 =	rddreg [dreg:$0x1];
	p0 =	sne.s32 s2, $0x0  }
0x64: {  	s3 =	rddreg [dreg:$0x2];
	[bflag:$0x3] =	sbarrier.arrive $0xFFFF;
	s2 =	simm.s32 @!p0 $0x1C02  }
0x65: {  	[timem:s3], [sflag:s2] =	dma.local @!p0 [hbm:s0], s1  }
0x66: {  	s0 =	simm.s32 @!p0 $0x2  }
0x67: {  	_ =	swait.ge @!p0 [sflag:s0], s1  }
0x68: {  	s1 =	ssub.s32 @!p0 $0x0, s1;
	[sflag:s0] =	ssyncset.done @!p0 $0x0  }
0x69: {  	[sflag:s0] =	ssyncadd.s32 @!p0 s1  }
0x6a: {  	[bflag:$0x3] =	sbarrier.arrive $0xFFFF  }
0x6b: {  	_ =	shalt  }

// kernel: sc_agg_deg.3.cloned.1.call-start
scs
__scs_entry_jumppad:
0x0: {  	(pc) =	sbr.rel $0x88, $3  }
0x1: {  	(tag) =	ssettag $0x0;
	lr =	simm.s32 $0x1  }
0x2: {  	[smem:$0x3F97] =	sst lr;
	_ =	strace $0xD0000000  }
0x3: {  	_ = 	snop  }
0x4: {  	_ = 	snop  }
0x5: {  	_ = 	snop  }
0x6: {  	_ = 	snop  }
0x7: {  	_ = 	snop  }
__scs_overlays_trampoline_lowered:
0x8: {  	[smem:$0x3FA6] =	sst s0  }
0x9: {  	[smem:$0x3FA7] =	sst s1  }
0xa: {  	[smem:$0x3FA8] =	sst s2  }
0xb: {  	[smem:$0x3FA9] =	sst s3  }
0xc: {  	[smem:$0x3FAA] =	sst s4  }
0xd: {  	[smem:$0x3FAB] =	sst s5  }
0xe: {  	[smem:$0x3FAC] =	sst s6  }
0xf: {  	[smem:$0x3FAD] =	sst s7  }
0x10: {  	[smem:$0x3FAE] =	sst s8  }
0x11: {  	[smem:$0x3FAF] =	sst s9;
	s0 =	simm.s32 @!p0 $0x0  }
0x12: {  	s1 =	sld [smem:$0x3F95];
	s0 =	simm.s32 @p0 $0x1  }
0x13: {  	[smem:$0x3FB0] =	sst s0;
	s0 =	simm.s32 @!p1 $0x0  }
0x14: {  	s2 =	sld [smem:$0x3F94];
	s0 =	simm.s32 @p1 $0x1  }
0x15: {  	[smem:$0x3FB1] =	sst s0;
	s0 =	simm.s32 @!p2 $0x0  }
0x16: {  	s3 =	sld [smem:$0x3FDB];
	s0 =	simm.s32 @p2 $0x1  }
0x17: {  	s4 =	simm.s32 $0x1BF5;
	[smem:$0x3FB3] =	sst s0  }
0x18: {  	s0 =	sld [smem:$0x3F96];
	_ =	swait.ge [sflag:s4], $0x0  }
0x19: {  	s7 =	sld [smem:$0x3F97]  }
0x1a: {  	s8 =	sadd.s32 $0xFFFFE003, lr  }
0x1b: {  	s9 =	sadd.s32 $0xFFFFFEF7, lr;
	s5 =	simm.s32 $0xFFFFFFFF;
	p2 =	slt.u32 s8, $0xFFFFF086  }
0x1c: {  	p1 =	slt.u32 s9, $0xF7A;
	s5 =	simm.s32 @!p2 $0x0  }
0x1d: {  	s5 =	simm.s32 @p1 $0x1;
	p0 =	seq.s32 s7, s2  }
0x1e: {  	s7 =	smul.u32 @!p0 $0xF7A, s2;
	p2 =	seq.s32 @!p0 s5, $0x0  }
0x1f: {  	s9 =	smul.u32 $0xF7A, s1;
	s8 =	simm.s32 @!p0 $0x1BF5;
	p2 =	por !p2, p0  }
0x20: {  	[sflag:s8] =	ssyncset.s32 @!p0 $0xFFFFF086;
	s6 =	sadd.s32 @!p0 s3, s7;
	s7 =	simm.s32 @!p0 $0x108  }
0x21: {  	s3 =	sadd.s32 s3, s9;
	s6 =	sadd.s32 @!p0 $0x88, s6;
	s7 =	simm.s32 @p2 $0x1082  }
0x22: {  	[simem:s7], [sflag:s8] =	dma.local @!p0 [hbm:s6], $0xF7A  }
0x23: {  	s9 =	sor.u32 $0xD0000000, s2;
	s6 =	simm.s32 $0x108;
	_ =	swait.ge @!p0 [sflag:s8], $0x0  }
0x24: {  	s3 =	sadd.s32 $0x88, s3;
	s6 =	simm.s32 @!p1 $0x1082;
	[sflag:s4] =	ssyncset.s32 $0xFFFFF086  }
0x25: {  	[simem:s6], [sflag:s4] =	dma.local [hbm:s3], $0xF7A  }
0x26: {  	[smem:$0x3F97] =	sst s1;
	(tag) =	ssettag s2;
	_ =	strace s9  }
0x27: {  	s1 =	sld [smem:$0x3FA7]  }
0x28: {  	s2 =	sld [smem:$0x3FA8]  }
0x29: {  	s4 =	sld [smem:$0x3FAA]  }
0x2a: {  	p0 =	seq.s32 s5, $0x0;
	s5 =	sld [smem:$0x3FAB]  }
0x2b: {  	s6 =	sld [smem:$0x3FAC]  }
0x2c: {  	s7 =	sld [smem:$0x3FAD]  }
0x2d: {  	s3 =	simm.s32 $0x108;
	s8 =	sld [smem:$0x3FAE]  }
0x2e: {  	s3 =	simm.s32 @!p0 $0x1082;
	s9 =	sld [smem:$0x3FAF]  }
0x2f: {  	lr =	sadd.s32 s0, s3;
	s0 =	sld [smem:$0x3FA6]  }
0x30: {  	s3 =	sld [smem:$0x3FA9]  }
0x31: {  	[smem:$0x3FB2] =	sst s10  }
0x32: {  	s10 =	sld [smem:$0x3FB0];
	_ =	sdelay $0x3  }
0x33: {  	p0 =	seq.s32 s10, $0x1;
	s10 =	sld [smem:$0x3FB2];
	_ =	sdelay $0x3  }
0x34: {  	[smem:$0x3FB2] =	sst s10  }
0x35: {  	s10 =	sld [smem:$0x3FB1];
	_ =	sdelay $0x3  }
0x36: {  	p1 =	seq.s32 s10, $0x1;
	s10 =	sld [smem:$0x3FB2];
	_ =	sdelay $0x3  }
0x37: {  	[smem:$0x3FB2] =	sst s10  }
0x38: {  	s10 =	sld [smem:$0x3FB3]  }
0x39: {  	_ = 	snop;
	(pc) =	sbr.ind lr, $3  }
0x3a: {  	_ = 	snop  }
0x3b: {  	_ = 	snop  }
0x3c: {  	p2 =	seq.s32 s10, $0x1;
	s10 =	sld [smem:$0x3FB2]  }
0x3d: {  	_ =	shalt  }
0x3e: {  	_ =	shalt  }
0x3f: {  	_ =	shalt  }
0x40: {  	_ =	shalt  }
0x41: {  	_ =	shalt  }
0x42: {  	_ =	shalt  }
0x43: {  	_ =	shalt  }
0x44: {  	_ =	shalt  }
0x45: {  	_ =	shalt  }
0x46: {  	_ =	shalt  }
0x47: {  	_ =	shalt  }
0x48: {  	_ =	shalt  }
0x49: {  	_ =	shalt  }
0x4a: {  	_ =	shalt  }
0x4b: {  	_ =	shalt  }
0x4c: {  	_ =	shalt  }
0x4d: {  	_ =	shalt  }
0x4e: {  	_ =	shalt  }
0x4f: {  	_ =	shalt  }
0x50: {  	_ =	shalt  }
0x51: {  	_ =	shalt  }
0x52: {  	_ =	shalt  }
0x53: {  	_ =	shalt  }
0x54: {  	_ =	shalt  }
0x55: {  	_ =	shalt  }
0x56: {  	_ =	shalt  }
0x57: {  	_ =	shalt  }
0x58: {  	_ =	shalt  }
0x59: {  	_ =	shalt  }
0x5a: {  	_ =	shalt  }
0x5b: {  	_ =	shalt  }
0x5c: {  	_ =	shalt  }
0x5d: {  	_ =	shalt  }
0x5e: {  	_ =	shalt  }
0x5f: {  	_ =	shalt  }
0x60: {  	_ =	shalt  }
0x61: {  	_ =	shalt  }
0x62: {  	_ =	shalt  }
0x63: {  	_ =	shalt  }
0x64: {  	_ =	shalt  }
0x65: {  	_ =	shalt  }
0x66: {  	_ =	shalt  }
0x67: {  	_ =	shalt  }
0x68: {  	_ =	shalt  }
0x69: {  	_ =	shalt  }
0x6a: {  	_ =	shalt  }
0x6b: {  	_ =	shalt  }
0x6c: {  	_ =	shalt  }
0x6d: {  	_ =	shalt  }
0x6e: {  	_ =	shalt  }
0x6f: {  	_ =	shalt  }
0x70: {  	_ =	shalt  }
0x71: {  	_ =	shalt  }
0x72: {  	_ =	shalt  }
0x73: {  	_ =	shalt  }
0x74: {  	_ =	shalt  }
0x75: {  	_ =	shalt  }
0x76: {  	_ =	shalt  }
0x77: {  	_ =	shalt  }
0x78: {  	_ =	shalt  }
0x79: {  	_ =	shalt  }
0x7a: {  	_ =	shalt  }
0x7b: {  	_ =	shalt  }
0x7c: {  	_ =	shalt  }
0x7d: {  	_ =	shalt  }
0x7e: {  	_ =	shalt  }
0x7f: {  	_ =	shalt  }
0x80: {  	_ =	shalt  }
0x81: {  	_ =	shalt  }
0x82: {  	_ =	shalt  }
0x83: {  	_ =	shalt  }
0x84: {  	_ =	shalt  }
0x85: {  	_ =	shalt  }
0x86: {  	_ =	shalt  }
0x87: {  	_ =	shalt  }
.Lfunc_end0:
.L_simem_size_0:
called_computation_lowered:
.L_overlay_start_0:
0x88: {  	s2 =	sld [smem:$0x3FD9]  }
0x89: {  	s3 =	sld [smem:$0x3FFE];
	_ =	sdelay $0x1  }
0x8a: {  	s1 =	srdreg.scid  }
0x8b: {  	s0 =	sand.u32 $0x1, s1  }
0x8c: {  	s17 =	sshll.u32 s0, $0xA;
	s2 =	sadd.s32 s3, s2  }
0x8d: {  	s2 =	sadd.s32 s2, s17  }
0x8e: {  	[smem:$0x3FBE] =	sst s2  }
0x8f: {  	_ = 	snop  }
0x90: {  	s2 =	sld [smem:$0x3FD0];
	(tm) =	ssettm $0x1  }
0x91: {  	s18 =	sld [smem:$0x3FFB];
	_ =	sdelay $0x3  }
0x92: {  	_ =	strace s18  }
0x93: {  	s3 =	sld [smem:$0x3FFC];
	_ =	sdelay $0x3  }
0x94: {  	_ =	strace s3  }
0x95: {  	s3 =	sld [smem:$0x3FFD];
	_ =	sdelay $0x3  }
0x96: {  	_ =	strace s3  }
0x97: {  	_ =	strace $0x8FFFFFFF  }
0x98: {  	s19 =	sld [smem:$0x3FDB];
	_ =	sdelay $0x1  }
0x99: {  	s4 =	simm.s32 $_scs_section_size  }
0x9a: {  	s5 =	simm.s32 $_size__tile_overlayer_lowered;
	s6 =	simm.s32 $_tile_overlayer_lowered  }
0x9b: {  	s22 =	simm.s32 $0x1BFF;
	s21 =	sshll.u32 s6, $0x1;
	s3 =	sadd.s32 s4, s19  }
0x9c: {  	s7 =	simm.s32 $0x0;
	s20 =	sshll.u32 s5, $0x1;
	s5 =	sadd.s32 s21, s3  }
0x9d: {  	[timem:s7], [sflag:s22] =	dma.local [hbm:s5], s20  }
0x9e: {  	_ =	swait.ge [sflag:s22], s20  }
0x9f: {  	s4 =	ssub.s32 $0x0, s20;
	[sflag:s22] =	ssyncset.done $0x0  }
0xa0: {  	[sflag:s22] =	ssyncadd.s32 s4;
	_ =	sdelay $0x1  }
0xa1: {  	s23 =	simm.s32 $0x1B8B  }
0xa2: {  	_ =	swait.ge [sflag:s23], $0x1  }
0xa3: {  	[sflag:s23] =	ssyncset.done $0x0  }
0xa4: {  	s25 =	simm.s32 $0x1B8E;
	s24 =	sld [smem:$0x3FFE];
	[sflag:s23] =	ssyncadd.s32 $0xFFFFFFFF  }
0xa5: {  	s26 =	simm.s32 $execute0_lowered;
	[smem:$0x3FD2] =	sst s25  }
0xa6: {  	s5 =	sshll.u32 s26, $0x1;
	_ =	strace $0x80000046;
	[dreg:$0x1] =	wrdreg $0xFFFFFFFF  }
0xa7: {  	s28 =	simm.s32 $_size_execute0_lowered;
	s3 =	sadd.s32 s3, s5;
	[dreg:$0x0] =	wrdreg $0x0  }
0xa8: {  	s5 =	sshll.u32 s28, $0x1;
	[dreg:$0x2] =	wrdreg s3  }
0xa9: {  	[dreg:$0x3] =	wrdreg s5  }
0xaa: {  	[dreg:$0x4] =	wrdreg $0xC0  }
0xab: {  	_ =	task [dreg:s7], $0x5FFFF  }
0xac: {  	[dreg:$0x1] =	wrdreg $0xFFFFFFFF  }
0xad: {  	[dreg:$0x0] =	wrdreg $0x60  }
0xae: {  	[dreg:$0x2] =	wrdreg s2  }
0xaf: {  	[dreg:$0x3] =	wrdreg s24  }
0xb0: {  	[dreg:$0x4] =	wrdreg $0x90000  }
0xb1: {  	[dreg:$0x5] =	wrdreg $0x1D0800  }
0xb2: {  	[dreg:$0x6] =	wrdreg $0x9  }
0xb3: {  	_ =	task.clear_ibuf [dreg:s7], $0x7FFFF;
	_ =	strace $0x90000046  }
0xb4: {  	s29 =	simm.s32 $0x9;
	_ =	strace $0x80000048  }
0xb5: {  	_ =	swait.ge [sflag:s29], $0x1  }
0xb6: {  	[sflag:s29] =	ssyncadd.s32 $0xFFFFFFFF  }
0xb7: {  	_ =	strace $0x90000048  }
0xb8: {  	_ =	sfence  }
0xb9: {  	s30 =	sld [smem:$0x0];
	_ =	sdelay $0x2  }
0xba: {  	s31 =	sshll.u32 s1, $0xD;
	s1 =	sshrl.u32 s1, $0x2  }
0xbb: {  	s3 =	sand.u32 $0x4000, s31;
	s1 =	sadd.s32 s1, s30  }
0xbc: {  	s0 =	sor.u32 s3, s0;
	s1 =	sshll.u32 s1, $0x11  }
0xbd: {  	s0 =	sor.u32 s1, s0  }
0xbe: {  	s0 =	sadd.s32 $0x8F2B, s0  }
0xbf: {  	[sflag:s0] =	ssyncadd.remote.s32 $0x1  }
0xc0: {  	_ =	sfence.sel $0xFFFF  }
0xc1: {  	[dreg:$0x0] =	wrdreg $0xFFFFFFFF;
	(pc) =	sbr.abs _section_cstart, $3  }
0xc2: {  	[dreg:$0x1] =	wrdreg $0xFFFFFFFF  }
0xc3: {  	_ =	task.clear_ibuf [dreg:s7], $0x2FFFF;
	_ =	strace $0x9FFFFFFF  }
0xc4: {  	(tm) =	ssettm $0x7FFFFFFF  }
0xc5: {  	_ =	shalt  }
tec
execute0_lowered:
.L_overlay_start_1:
0x0: {  	(tag) =	ssettag $0x1  }
0x1: {  	s1 =	rddreg [dreg:$0x0]  }
0x2: {  	s0 =	rddreg [dreg:$0x1]  }
0x3: {  	s2 =	rddreg [dreg:$0x2]  }
0x4: {  	s4 =	rddreg [dreg:$0x3];
	s21 =	stileid.u32  }
0x5: {  	s3 =	srdreg.scid;
	s9 =	smul.u32 $0x14000, s21  }
0x6: {  	s5 =	simm.s32 $0x0;
	s28 =	simm.s32 $0x20;
	s22 =	smul.u32 $0x500, s21  }
0x7: {  	s29 =	simm.s32 $0x10;
	s30 =	simm.s32 $0x0;
	s13 =	smul.u32 $0x280, s21  }
0x8: {  	s6 =	sand.u32 $0x1, s3;
	[smem:$0x7FF] =	sst s5;
	s11 =	smul.u32 $0x50000, s21  }
0x9: {  	s7 =	sshll.u32 s6, $0x4;
	s8 =	smul.u32 $0x140000, s6;
	_ =	strace $0x80000047  }
0xa: {  	s10 =	sshll.u32 s6, $0x7;
	s6 =	ssub.s32 $0x2, s6;
	s7 =	sor.u32 s21, s7  }
0xb: {  	s23 =	sshrl.u32 s6, $0x1;
	s24 =	sshrl.u32 s11, $0x2;
	s14 =	sadd.s32 $0x80, s13  }
0xc: {  	s15 =	sadd.s32 $0x100, s13;
	s16 =	sadd.s32 $0x180, s13;
	s17 =	sadd.s32 $0x200, s13  }
0xd: {  	s13 =	sadd.s32 s13, s4;
	s21 =	simm.s32 $0x2;
	s7 =	smul.u32 $0x500, s7  }
0xe: {  	s8 =	sadd.s32 s9, s8;
	s9 =	sor.u32 s10, s22;
	s20 =	ssub.s32 s6, s23  }
0xf: {  	s25 =	sshll.u32 s14, $0x7;
	s26 =	sshll.u32 s15, $0x7;
	s31 =	sshll.u32 s16, $0x7  }
0x10: {  	s12 =	sshll.u32 s17, $0x7;
	s14 =	sadd.s32 s14, s4;
	s15 =	sadd.s32 s15, s4  }
0x11: {  	s16 =	sadd.s32 s16, s4;
	s17 =	sadd.s32 s17, s4;
	s23 =	simm.s32 $0x5000  }
0x12: {  	s8 =	sshrl.u32 s8, $0x3;
	s9 =	sshrl.u32 s9, $0x3;
	s10 =	sadd.s32 s26, s2  }
0x13: {  	s11 =	sadd.s32 s31, s2;
	s12 =	sadd.s32 s12, s2;
	s20 =	smax.u32 s20, $0x1  }
0x14: {  	s26 =	simm.s32 $0x1D000;
	s7 =	sadd.s32 s7, s0;
	s18 =	sadd.s32 s8, s0  }
0x15: {  	s0 =	sadd.s32 s9, s0;
	s8 =	sadd.s32 s24, s2;
	s9 =	sadd.s32 s25, s2  }
0x16: {  	s24 =	simm.s32 $0x80;
	s25 =	simm.s32 $0x1;
	s6 =	sadd.s32 $0xC800, s7  }
0x17: {  	v0 =	vimm.f32 $0.0e+00;
	v1 =	vimm.f32 $1.000000000e+00;
	s7 =	sadd.s32 $0x2800, s7;
	s18 =	sadd.s32 $0x17200, s18;
	s19 =	sadd.s32 $0x16800, s0  }
.LBB2_1:
0x18: {  	[tilespmem:s5], [sflag:$0x2] =	stream.linear.gather [hbm4b:s6+s5], $0x2780, $0x38;
	[tilespmem:$0x1D300] =	vst v63  }
0x19: {  	_ =	swait.ge [sflag:s21], $0x2780  }
0x1a: {  	[sflag:s21] =	ssyncset.done $0x0  }
0x1b: {  	s0 =	simm.s32 $0x2800;
	[sflag:s21] =	ssyncadd.s32 $0xFFFFD880  }
0x1c: {  	[tilespmem:s0], [sflag:$0x2] =	stream.linear.gather [hbm4b:s7+s5], $0x2780, $0x38;
	[tilespmem:$0x1D300] =	vst v63  }
0x1d: {  	_ =	swait.ge [sflag:s21], $0x2780  }
0x1e: {  	[sflag:s21] =	ssyncset.done $0x0  }
0x1f: {  	s31 =	simm.s32 $0x0;
	s0 =	simm.s32 $0x200;
	[sflag:s21] =	ssyncadd.s32 $0xFFFFD880  }
.LBB2_2:
0x20: {  	p0 =	sne.s32 s0, $0xFE00;
	[tilespmem:s31+$0x5070] =	vst v0  }
0x21: {  	[tilespmem:s31+$0x5000] =	vst v0  }
0x22: {  	[tilespmem:s31+$0x5010] =	vst v0  }
.Ltmp0:
0x23: {  	[tilespmem:s31+$0x5020] =	vst v0;
	(pc) =	sbr.rel @p0 .LBB2_2-.Ltmp0, $4  }
0x24: {  	[tilespmem:s31+$0x5030] =	vst v0  }
0x25: {  	[tilespmem:s31+$0x5040] =	vst v0  }
0x26: {  	[tilespmem:s31+$0x5050] =	vst v0  }
0x27: {  	[tilespmem:s31+$0x5060] =	vst v0;
	s31 =	sshra.s32 s0, $0x2;
	s0 =	sadd.s32 $0x200, s0  }
0x28: {  	[tilespmem:s31+$0x5070] =	vst v0  }
0x29: {  	[tilespmem:s31+$0x5000] =	vst v0  }
0x2a: {  	[tilespmem:s31+$0x5010] =	vst v0  }
0x2b: {  	[tilespmem:s31+$0x5020] =	vst v0  }
0x2c: {  	[tilespmem:s31+$0x5030] =	vst v0  }
0x2d: {  	[tilespmem:s31+$0x5040] =	vst v0  }
0x2e: {  	[tilespmem:s31+$0x5050] =	vst v0  }
0x2f: {  	[tilespmem:s31+$0x5060] =	vst v0  }
0x30: {  	[tilespmem:$0x1D000] =	vst v1  }
0x31: {  	[tilespmem:$0x1D010] =	vst v1  }
0x32: {  	[tilespmem:$0x1D020] =	vst v1  }
0x33: {  	[tilespmem:$0x1D030] =	vst v1  }
0x34: {  	[tilespmem:$0x1D040] =	vst v1  }
0x35: {  	[tilespmem:$0x1D050] =	vst v1  }
0x36: {  	[tilespmem:$0x1D060] =	vst v1  }
0x37: {  	[tilespmem:$0x1D070] =	vst v1  }
0x38: {  	[spmem:s8] =	stream.linear.scatter [tilespmem:s23], [sflag:$0x2], $0x4000, $0x38;
	[tilespmem:$0x1D300] =	vst v63  }
0x39: {  	_ =	swait.ge [sflag:s21], $0x4000  }
0x3a: {  	[sflag:s21] =	ssyncset.done $0x0  }
0x3b: {  	[sflag:s21] =	ssyncadd.s32 $0xFFFFC000  }
0x3c: {  	[spmem:s9] =	stream.linear.scatter [tilespmem:s23], [sflag:$0x2], $0x4000, $0x38;
	[tilespmem:$0x1D300] =	vst v63  }
0x3d: {  	_ =	swait.ge [sflag:s21], $0x4000  }
0x3e: {  	[sflag:s21] =	ssyncset.done $0x0  }
0x3f: {  	[sflag:s21] =	ssyncadd.s32 $0xFFFFC000  }
0x40: {  	[spmem:s10] =	stream.linear.scatter [tilespmem:s23], [sflag:$0x2], $0x4000, $0x38;
	[tilespmem:$0x1D300] =	vst v63  }
0x41: {  	_ =	swait.ge [sflag:s21], $0x4000  }
0x42: {  	[sflag:s21] =	ssyncset.done $0x0  }
0x43: {  	[sflag:s21] =	ssyncadd.s32 $0xFFFFC000  }
0x44: {  	[spmem:s11] =	stream.linear.scatter [tilespmem:s23], [sflag:$0x2], $0x4000, $0x38;
	[tilespmem:$0x1D300] =	vst v63  }
0x45: {  	_ =	swait.ge [sflag:s21], $0x4000  }
0x46: {  	[sflag:s21] =	ssyncset.done $0x0  }
0x47: {  	[sflag:s21] =	ssyncadd.s32 $0xFFFFC000  }
0x48: {  	[spmem:s12] =	stream.linear.scatter [tilespmem:s23], [sflag:$0x2], $0x4000, $0x38;
	[tilespmem:$0x1D300] =	vst v63  }
0x49: {  	_ =	swait.ge [sflag:s21], $0x4000  }
0x4a: {  	[sflag:s21] =	ssyncset.done $0x0  }
0x4b: {  	[sflag:s21] =	ssyncadd.s32 $0xFFFFC000  }
0x4c: {  	[spmem:s13] =	stream.linear.scatter [tilespmem:s23], [sflag:$0x2], $0x80, $0x38;
	[tilespmem:$0x1D300] =	vst v63  }
0x4d: {  	_ =	swait.ge [sflag:s21], $0x80  }
0x4e: {  	[sflag:s21] =	ssyncset.done $0x0  }
0x4f: {  	[sflag:s21] =	ssyncadd.s32 $0xFFFFFF80  }
0x50: {  	[spmem:s14] =	stream.linear.scatter [tilespmem:s23], [sflag:$0x2], $0x80, $0x38;
	[tilespmem:$0x1D300] =	vst v63  }
0x51: {  	_ =	swait.ge [sflag:s21], $0x80  }
0x52: {  	[sflag:s21] =	ssyncset.done $0x0  }
0x53: {  	[sflag:s21] =	ssyncadd.s32 $0xFFFFFF80  }
0x54: {  	[spmem:s15] =	stream.linear.scatter [tilespmem:s23], [sflag:$0x2], $0x80, $0x38;
	[tilespmem:$0x1D300] =	vst v63  }
0x55: {  	_ =	swait.ge [sflag:s21], $0x80  }
0x56: {  	[sflag:s21] =	ssyncset.done $0x0  }
0x57: {  	[sflag:s21] =	ssyncadd.s32 $0xFFFFFF80  }
0x58: {  	[spmem:s16] =	stream.linear.scatter [tilespmem:s23], [sflag:$0x2], $0x80, $0x38;
	[tilespmem:$0x1D300] =	vst v63  }
0x59: {  	_ =	swait.ge [sflag:s21], $0x80  }
0x5a: {  	[sflag:s21] =	ssyncset.done $0x0  }
0x5b: {  	[sflag:s21] =	ssyncadd.s32 $0xFFFFFF80  }
0x5c: {  	[spmem:s17] =	stream.linear.scatter [tilespmem:s23], [sflag:$0x2], $0x80, $0x38;
	[tilespmem:$0x1D300] =	vst v63  }
0x5d: {  	_ =	swait.ge [sflag:s21], $0x80  }
0x5e: {  	[sflag:s21] =	ssyncset.done $0x0  }
0x5f: {  	[sflag:s21] =	ssyncadd.s32 $0xFFFFFF80  }
0x60: {  	s0 =	simm.s32 $0x0;
	[bflag:$0x0] =	sbarrier.arrive $0xFFFF  }
0x61: {  	[tilespmem:s23], [sflag:$0x1] =	stream.indirect.gather [hbm4b:s1+s24], $0x80, s0, s24, $0xb8;
	[tilespmem:$0x1D300] =	vst v63  }
0x62: {  	_ =	swait.ge [sflag:s25], $0x4000  }
0x63: {  	[sflag:s25] =	ssyncset.done $0x0  }
0x64: {  	s22 =	simm.s32 $0x2800;
	[sflag:s25] =	ssyncadd.s32 $0xFFFFC000  }
0x65: {  	[spmem:s2] =	stream.indirect.scatter.add.f32 [tilespmem:s23], [sflag:$0x2], $0x80, s22, s24, $0xb8;
	[tilespmem:$0x1D300] =	vst v63  }
0x66: {  	_ =	swait.ge [sflag:s21], $0x4000  }
0x67: {  	[sflag:s21] =	ssyncset.done $0x0  }
0x68: {  	[sflag:s21] =	ssyncadd.s32 $0xFFFFC000  }
0x69: {  	[spmem:s4] =	stream.indirect.scatter.add.f32 [tilespmem:s26], [sflag:$0x2], $0x1, s22, s24, $0xb8;
	[tilespmem:$0x1D300] =	vst v63  }
0x6a: {  	_ =	swait.ge [sflag:s21], $0x80  }
0x6b: {  	s31 =	simm.s32 $0x200;
	s0 =	simm.s32 $0x400;
	[sflag:s21] =	ssyncset.done $0x0  }
.LBB2_4:
0x6c: {  	s3 =	sshra.s32 s31, $0x2  }
0x6d: {  	[sflag:s21] =	ssyncadd.s32 $0xFFFFFF80;
	s31 =	smov.u32 s0;
	s22 =	sadd.s32 $0x200, s0  }
0x6e: {  	[tilespmem:s23], [sflag:$0x1] =	stream.indirect.gather [hbm4b:s1+s24], $0x80, s3, s24, $0xb8;
	[tilespmem:$0x1D300] =	vst v63  }
0x6f: {  	p0 =	sne.s32 s0, $0x9C00;
	_ =	swait.ge [sflag:s25], $0x4000  }
0x70: {  	[sflag:s25] =	ssyncset.done $0x0  }
0x71: {  	s0 =	sadd.s32 $0x2800, s3;
	[sflag:s25] =	ssyncadd.s32 $0xFFFFC000  }
0x72: {  	[spmem:s2] =	stream.indirect.scatter.add.f32 [tilespmem:s23], [sflag:$0x2], $0x80, s0, s24, $0xb8;
	[tilespmem:$0x1D300] =	vst v63  }
0x73: {  	_ =	swait.ge [sflag:s21], $0x4000  }
.Ltmp1:
0x74: {  	[sflag:s21] =	ssyncset.done $0x0;
	(pc) =	sbr.rel @p0 .LBB2_4-.Ltmp1, $4  }
0x75: {  	[sflag:s21] =	ssyncadd.s32 $0xFFFFC000  }
0x76: {  	[spmem:s4] =	stream.indirect.scatter.add.f32 [tilespmem:s26], [sflag:$0x2], $0x1, s0, s24, $0xb8;
	[tilespmem:$0x1D300] =	vst v63  }
0x77: {  	_ =	swait.ge [sflag:s21], $0x80  }
0x78: {  	s0 =	smov.u32 s22;
	[sflag:s21] =	ssyncset.done $0x0  }
0x79: {  	s0 =	sshra.s32 s31, $0x2;
	[sflag:s21] =	ssyncadd.s32 $0xFFFFFF80  }
0x7a: {  	[tilespmem:s23], [sflag:$0x1] =	stream.indirect.gather [hbm4b:s1+s24], $0x80, s0, s24, $0xb8;
	[tilespmem:$0x1D300] =	vst v63  }
0x7b: {  	_ =	swait.ge [sflag:s25], $0x4000  }
0x7c: {  	[sflag:s25] =	ssyncset.done $0x0  }
0x7d: {  	s0 =	sadd.s32 $0x2800, s0;
	[sflag:s25] =	ssyncadd.s32 $0xFFFFC000  }
0x7e: {  	[spmem:s2] =	stream.indirect.scatter.add.f32 [tilespmem:s23], [sflag:$0x2], $0x80, s0, s24, $0xb8;
	[tilespmem:$0x1D300] =	vst v63  }
0x7f: {  	_ =	swait.ge [sflag:s21], $0x4000  }
0x80: {  	[sflag:s21] =	ssyncset.done $0x0  }
0x81: {  	[sflag:s21] =	ssyncadd.s32 $0xFFFFC000  }
0x82: {  	[spmem:s4] =	stream.indirect.scatter.add.f32 [tilespmem:s26], [sflag:$0x2], $0x1, s0, s24, $0xb8;
	[tilespmem:$0x1D300] =	vst v63  }
0x83: {  	_ =	swait.ge [sflag:s21], $0x80  }
0x84: {  	s22 =	stileid.u32;
	[sflag:s21] =	ssyncset.done $0x0  }
0x85: {  	s0 =	sshll.u32 s22, $0x6;
	[sflag:s21] =	ssyncadd.s32 $0xFFFFFF80  }
0x86: {  	s3 =	sshrl.u32 s8, $0x3;
	s0 =	sor.u32 $0x1C02, s0;
	[bflag:$0x0] =	sbarrier.arrive $0xFFFF  }
0x87: {  	[hbm:s18], [sflag:s0] =	dma.local [spmem:s3], $0x2800  }
0x88: {  	s30 =	sadd.s32 $0x1, s30;
	_ =	swait.ge [sflag:s21], $0x2800  }
0x89: {  	p0 =	sne.s32 s30, s20;
	[sflag:s21] =	ssyncset.done $0x0  }
.Ltmp2:
0x8a: {  	s31 =	sshrl.u32 s13, $0x3;
	[sflag:s21] =	ssyncadd.s32 $0xFFFFD800;
	(pc) =	sbr.rel @p0 .LBB2_1-.Ltmp2, $4  }
0x8b: {  	[hbm:s19@s28], [sflag:s0] =	dma.strided [spmem:s31@s29], $0x50, s25, $0x10   }
0x8c: {  	_ =	swait.ge [sflag:s21], $0x50  }
0x8d: {  	[sflag:s21] =	ssyncset.done $0x0  }
0x8e: {  	[sflag:s21] =	ssyncadd.s32 $0xFFFFFFB0  }
0x8f: {  	_ =	sfence.sel $0x180000  }
0x90: {  	[bflag:$0x0] =	sbarrier.arrive $0xFFFF  }
0x91: {  	_ =	strace $0x90000047  }
0x92: {  	s0 =	stileid.u32;
	[bflag:$0x2] =	sbarrier.arrive $0xFFFF  }
0x93: {  	p0 =	sne.s32 s0, $0x0;
	s0 =	rddreg [dreg:$0x4]  }
0x94: {  	s0 =	sadd.s32 @!p0 $0x100000, s0  }
0x95: {  	[sflag:s0] =	ssyncadd.tile.s32 @!p0 $0x1;
	_ =	shalt  }
.Lfunc_end2:
_tile_overlayer_lowered:
.L_overlay_start_2:
0x96: {  	(tag) =	ssettag $0x2  }
0x97: {  	s0 =	rddreg [dreg:$0x0];
	s2 =	stileid.u32  }
0x98: {  	s1 =	rddreg [dreg:$0x1];
	p0 =	sne.s32 s2, $0x0  }
0x99: {  	s3 =	rddreg [dreg:$0x2];
	[bflag:$0x3] =	sbarrier.arrive $0xFFFF;
	s2 =	simm.s32 @!p0 $0x1C02  }
0x9a: {  	[timem:s3], [sflag:s2] =	dma.local @!p0 [hbm:s0], s1  }
0x9b: {  	s0 =	simm.s32 @!p0 $0x2  }
0x9c: {  	_ =	swait.ge @!p0 [sflag:s0], s1  }
0x9d: {  	s1 =	ssub.s32 @!p0 $0x0, s1;
	[sflag:s0] =	ssyncset.done @!p0 $0x0  }
0x9e: {  	[sflag:s0] =	ssyncadd.s32 @!p0 s1  }
0x9f: {  	[bflag:$0x3] =	sbarrier.arrive $0xFFFF  }
0xa0: {  	_ =	shalt  }

</sc_bundles>
